<compile_context>
chip_gen: v7x
topology: tpu7x:2x2x1
jax: 0.10.2.dev20260603
libtpu: 0.0.44.dev20260713+nightly
codegen_flags: <defaults>
</compile_context>

<pallas_src>
import functools

import jax
import jax.numpy as jnp
from jax import lax
from jax.experimental import pallas as pl
from jax.experimental.pallas import tpu as pltpu
from jax.experimental.pallas import tpu_sc as plsc

_B, _K, _N = 128, 16, 32768
_ROWS = _B * _K
_L = 16
_NVEC = _N // _L
_ACC = 8

_NC, _NS = 2, 16
_NW = _NC * _NS

_R_SC = 768
_R_TC = _ROWS - _R_SC
_SLOTS = 32
_BR = 64
_W = 512

_mesh = plsc.VectorSubcoreMesh(core_axis_name="c", subcore_axis_name="s")


_H = _N // 2
_HVEC = _H // _L


def _fresh_acc():
    neg = jnp.full((_L,), -1.0, dtype=jnp.float32)
    zero = jnp.zeros((_L,), dtype=jnp.int32)
    return tuple((neg, zero) for _ in range(_ACC))


def _half_scan(rbuf, off, carry):
    it = jax.lax.iota(jnp.int32, _L)

    @plsc.parallel_loop(0, _HVEC, step=_ACC, unroll=2, carry=carry)
    def scan(j, acc):
        out = []
        for a in range(_ACC):
            cm, ci = acc[a]
            v = rbuf[pl.ds((j + a) * _L, _L)]
            jv = it + ((j + a) * _L + off)
            better = v > cm
            out.append((jnp.where(better, v, cm), jnp.where(better, jv, ci)))
        return tuple(out)

    return scan


def _acc_result(acc):
    cm, ci = acc[0]
    for a in range(1, _ACC):
        qm, qi = acc[a]
        take = (qm > cm) | ((qm == cm) & (qi < ci))
        cm = jnp.where(take, qm, cm)
        ci = jnp.where(take, qi, ci)
    gmax = jnp.max(cm)
    masked = jnp.where(cm == gmax, ci, _N)
    return jnp.min(masked)


def _make_sc(start_row, rows):
    rpw = rows // _NW
    n_half = 2 * rpw

    @functools.partial(
        pl.kernel,
        out_type=jax.ShapeDtypeStruct((_NW * _SLOTS,), jnp.int32),
        mesh=_mesh,
        scratch_types=[
            pltpu.VMEM((_H,), jnp.float32),
            pltpu.VMEM((_H,), jnp.float32),
            pltpu.VMEM((_H,), jnp.float32),
            pltpu.VMEM((_H,), jnp.float32),
            pltpu.VMEM((_SLOTS,), jnp.int32),
            pltpu.SemaphoreType.DMA,
            pltpu.SemaphoreType.DMA,
            pltpu.SemaphoreType.DMA,
            pltpu.SemaphoreType.DMA,
        ],
        compiler_params=pltpu.CompilerParams(needs_layout_passes=False),
    )
    def _sc_argmax(x_hbm, out_hbm, b0, b1, b2, b3, res_v, s0, s1, s2, s3):
        wid = lax.axis_index("s") * _NC + lax.axis_index("c")
        base = start_row + wid * rpw
        it = jax.lax.iota(jnp.int32, _L)
        bufs = (b0, b1, b2, b3)
        sems = (s0, s1, s2, s3)

        def issue(b, r, col):
            r = jnp.minimum(r, _ROWS - 1)
            pltpu.async_copy(x_hbm.at[r, pl.ds(col, _H)], bufs[b], sems[b])

        def drain(b):
            pltpu.make_async_copy(x_hbm.at[0, pl.ds(0, _H)], bufs[b],
                                  sems[b]).wait()

        issue(0, base, 0)
        issue(1, base, _H)
        issue(2, base + 1, 0)
        issue(3, base + 1, _H)

        def put(av, q, res):
            lo, hi = av
            lane_hit = it == (q % _L)
            lo = jnp.where((q < _L) & lane_hit, res, lo)
            hi = jnp.where((q >= _L) & lane_hit, res, hi)
            return lo, hi

        def two_rows(i, av):
            drain(0)
            acc = _half_scan(bufs[0], 0, _fresh_acc())
            drain(1)
            acc = _half_scan(bufs[1], _H, acc)
            res0 = _acc_result(acc)
            issue(0, base + 2 * i + 2, 0)
            issue(1, base + 2 * i + 2, _H)
            drain(2)
            acc = _half_scan(bufs[2], 0, _fresh_acc())
            drain(3)
            acc = _half_scan(bufs[3], _H, acc)
            res1 = _acc_result(acc)
            issue(2, base + 2 * i + 3, 0)
            issue(3, base + 2 * i + 3, _H)
            av = put(av, 2 * i, res0)
            return put(av, 2 * i + 1, res1)

        zero = jnp.zeros((_L,), jnp.int32)
        lo, hi = lax.fori_loop(0, rpw // 2, two_rows, (zero, zero))
        res_v[pl.ds(0, _L)] = lo
        res_v[pl.ds(_L, _L)] = hi

        for b in range(4):
            drain(b)
        pltpu.sync_copy(res_v, out_hbm.at[pl.ds(wid * _SLOTS, _SLOTS)])

    return _sc_argmax


_sc_part = _make_sc(_R_TC, _R_SC)


def _tc_body(x_ref, o_ref):
    x = x_ref[...]
    cm = x[:, :_W]
    ci = jnp.zeros((_BR, _W), jnp.int32)
    for j in range(1, _N // _W):
        v = x[:, j * _W:(j + 1) * _W]
        better = v > cm
        cm = jnp.where(better, v, cm)
        ci = jnp.where(better, j, ci)
    m = jnp.max(cm, axis=1, keepdims=True)
    lane = lax.broadcasted_iota(jnp.int32, (_BR, _W), 1)
    gidx = ci * _W + lane
    masked = jnp.where(cm == m, gidx, _N)
    o_ref[0, 0, :] = jnp.min(masked, axis=1)


def _tc_part(x2d):
    nblk = _R_TC // _BR
    out = pl.pallas_call(
        _tc_body,
        grid=(nblk,),
        in_specs=[pl.BlockSpec((_BR, _N), lambda i: (i, 0))],
        out_specs=pl.BlockSpec((1, 1, _BR), lambda i: (i, 0, 0)),
        out_shape=jax.ShapeDtypeStruct((nblk, 1, _BR), jnp.int32),
        compiler_params=pltpu.CompilerParams(
            dimension_semantics=("arbitrary",),
        ),
    )(x2d)
    return out.reshape(_R_TC)


def kernel(batch_k_head_softmax):
    x2d = batch_k_head_softmax.reshape(_ROWS, _N)
    rpw = _R_SC // _NW
    out_sc = _sc_part(x2d).reshape(_NW, _SLOTS)[:, :rpw].reshape(_R_SC)
    out_tc = _tc_part(x2d)
    return jnp.concatenate([out_tc, out_sc]).reshape(_B, _K)

# --- scband reference (transcript-rebuilt; emitter-appended) ---
"""Pipeline reference for scband-argmax-slate-sampler-10256381903365 (READ-ONLY COPY).

The authoritative reference and input builder live on the scoring server;
editing this copy changes nothing except your own understanding.
"""

import jax, jax.numpy as jnp
import numpy as np


def setup_inputs(seed: int = 0) -> dict:
    key = jax.random.key(seed)
    batch_k_head_softmax = jax.random.uniform(key, (128, 16, 32768), dtype=jnp.float32)
    return {"batch_k_head_softmax": batch_k_head_softmax}


def reference(batch_k_head_softmax):
    # ArgmaxSlateSampler.forward: argmax over candidate dim (dim=2)
    batch_samples = jnp.argmax(batch_k_head_softmax, axis=2)
    return batch_samples

if __name__ == "__main__":
    import jax
    _d = setup_inputs()
    print(jax.jit(kernel)(*tuple(_d.values())))

</pallas_src>

<mosaic_0001>
#map = affine_map<(d0, d1) -> (0, 0)>
#map1 = affine_map<(d0, d1) -> (0)>
module attributes {stable_mosaic.version = 14 : i64} {
  func.func @_sc_argmax(%arg0: i32, %arg1: i32, %arg2: memref<2048x32768xf32, #tpu.memory_space<hbm>>, %arg3: memref<1024xi32, #tpu.memory_space<hbm>>, %arg4: memref<16384xf32, #tpu.memory_space<vmem>>, %arg5: memref<16384xf32, #tpu.memory_space<vmem>>, %arg6: memref<16384xf32, #tpu.memory_space<vmem>>, %arg7: memref<16384xf32, #tpu.memory_space<vmem>>, %arg8: memref<32xi32, #tpu.memory_space<vmem>>, %arg9: memref<!tpu.dma_semaphore, #tpu.memory_space<semaphore_mem>>, %arg10: memref<!tpu.dma_semaphore, #tpu.memory_space<semaphore_mem>>, %arg11: memref<!tpu.dma_semaphore, #tpu.memory_space<semaphore_mem>>, %arg12: memref<!tpu.dma_semaphore, #tpu.memory_space<semaphore_mem>>) attributes {dimension_semantics = [#tpu.dimension_semantics<core_parallel>, #tpu.dimension_semantics<subcore_parallel>], iteration_bounds = array<i64: 2, 16>, scalar_prefetch = 0 : i64, scratch_operands = 9 : i64, tpu.core_type = #tpu.core_type<sc_vector_subcore>, window_params = [{transform_indices = #map}, {transform_indices = #map1}]} {
    %mul3A = arith.constant 2 : i32
    %mul3A_0 = arith.muli %arg1, %mul3A : i32
    %add3A = arith.addi %mul3A_0, %arg0 : i32
    %mul3A_1 = arith.constant 24 : i32
    %mul3A_2 = arith.muli %add3A, %mul3A_1 : i32
    %add3A_3 = arith.constant 1280 : i32
    %add3A_4 = arith.addi %add3A_3, %mul3A_2 : i32
    %iota3A = tpu.iota {dimensions = array<i32: 0>} : vector<16xi32>
    %min3A = arith.constant 2047 : i32
    %min3A_5 = arith.minsi %add3A_4, %min3A : i32
    %dma_start3A = arith.constant 0 : i32
    %dma_start3A_6 = tpu.memref_slice %arg2[%min3A_5, %dma_start3A] : memref<2048x32768xf32, #tpu.memory_space<hbm>> -> memref<1x16384xf32, #tpu.memory_space<hbm>>
    %dma_start3A_7 = tpu.memref_squeeze %dma_start3A_6 : memref<1x16384xf32, #tpu.memory_space<hbm>> -> memref<16384xf32, #tpu.memory_space<hbm>>
    %dma_start3A_8 = arith.constant 0 : i32
    %dma_start3A_9 = tpu.memref_slice %arg2[%min3A_5, %dma_start3A_8] : memref<2048x32768xf32, #tpu.memory_space<hbm>> -> memref<1x16384xf32, #tpu.memory_space<hbm>>
    %dma_start3A_10 = tpu.memref_squeeze %dma_start3A_9 : memref<1x16384xf32, #tpu.memory_space<hbm>> -> memref<16384xf32, #tpu.memory_space<hbm>>
    tpu.enqueue_dma source(%dma_start3A_10 : memref<16384xf32, #tpu.memory_space<hbm>>) target(%arg4 : memref<16384xf32, #tpu.memory_space<vmem>>) target_semaphore(%arg9 : memref<!tpu.dma_semaphore, #tpu.memory_space<semaphore_mem>>)
    %min3A_11 = arith.constant 2047 : i32
    %min3A_12 = arith.minsi %add3A_4, %min3A_11 : i32
    %dma_start3A_13 = arith.constant 16384 : i32
    %dma_start3A_14 = tpu.memref_slice %arg2[%min3A_12, %dma_start3A_13] : memref<2048x32768xf32, #tpu.memory_space<hbm>> -> memref<1x16384xf32, #tpu.memory_space<hbm>>
    %dma_start3A_15 = tpu.memref_squeeze %dma_start3A_14 : memref<1x16384xf32, #tpu.memory_space<hbm>> -> memref<16384xf32, #tpu.memory_space<hbm>>
    %dma_start3A_16 = arith.constant 16384 : i32
    %dma_start3A_17 = tpu.memref_slice %arg2[%min3A_12, %dma_start3A_16] : memref<2048x32768xf32, #tpu.memory_space<hbm>> -> memref<1x16384xf32, #tpu.memory_space<hbm>>
    %dma_start3A_18 = tpu.memref_squeeze %dma_start3A_17 : memref<1x16384xf32, #tpu.memory_space<hbm>> -> memref<16384xf32, #tpu.memory_space<hbm>>
    tpu.enqueue_dma source(%dma_start3A_18 : memref<16384xf32, #tpu.memory_space<hbm>>) target(%arg5 : memref<16384xf32, #tpu.memory_space<vmem>>) target_semaphore(%arg10 : memref<!tpu.dma_semaphore, #tpu.memory_space<semaphore_mem>>)
    %add3A_19 = arith.constant 1 : i32
    %add3A_20 = arith.addi %add3A_4, %add3A_19 : i32
    %min3A_21 = arith.constant 2047 : i32
    %min3A_22 = arith.minsi %add3A_20, %min3A_21 : i32
    %dma_start3A_23 = arith.constant 0 : i32
    %dma_start3A_24 = tpu.memref_slice %arg2[%min3A_22, %dma_start3A_23] : memref<2048x32768xf32, #tpu.memory_space<hbm>> -> memref<1x16384xf32, #tpu.memory_space<hbm>>
    %dma_start3A_25 = tpu.memref_squeeze %dma_start3A_24 : memref<1x16384xf32, #tpu.memory_space<hbm>> -> memref<16384xf32, #tpu.memory_space<hbm>>
    %dma_start3A_26 = arith.constant 0 : i32
    %dma_start3A_27 = tpu.memref_slice %arg2[%min3A_22, %dma_start3A_26] : memref<2048x32768xf32, #tpu.memory_space<hbm>> -> memref<1x16384xf32, #tpu.memory_space<hbm>>
    %dma_start3A_28 = tpu.memref_squeeze %dma_start3A_27 : memref<1x16384xf32, #tpu.memory_space<hbm>> -> memref<16384xf32, #tpu.memory_space<hbm>>
    tpu.enqueue_dma source(%dma_start3A_28 : memref<16384xf32, #tpu.memory_space<hbm>>) target(%arg6 : memref<16384xf32, #tpu.memory_space<vmem>>) target_semaphore(%arg11 : memref<!tpu.dma_semaphore, #tpu.memory_space<semaphore_mem>>)
    %add3A_29 = arith.constant 1 : i32
    %add3A_30 = arith.addi %add3A_4, %add3A_29 : i32
    %min3A_31 = arith.constant 2047 : i32
    %min3A_32 = arith.minsi %add3A_30, %min3A_31 : i32
    %dma_start3A_33 = arith.constant 16384 : i32
    %dma_start3A_34 = tpu.memref_slice %arg2[%min3A_32, %dma_start3A_33] : memref<2048x32768xf32, #tpu.memory_space<hbm>> -> memref<1x16384xf32, #tpu.memory_space<hbm>>
    %dma_start3A_35 = tpu.memref_squeeze %dma_start3A_34 : memref<1x16384xf32, #tpu.memory_space<hbm>> -> memref<16384xf32, #tpu.memory_space<hbm>>
    %dma_start3A_36 = arith.constant 16384 : i32
    %dma_start3A_37 = tpu.memref_slice %arg2[%min3A_32, %dma_start3A_36] : memref<2048x32768xf32, #tpu.memory_space<hbm>> -> memref<1x16384xf32, #tpu.memory_space<hbm>>
    %dma_start3A_38 = tpu.memref_squeeze %dma_start3A_37 : memref<1x16384xf32, #tpu.memory_space<hbm>> -> memref<16384xf32, #tpu.memory_space<hbm>>
    tpu.enqueue_dma source(%dma_start3A_38 : memref<16384xf32, #tpu.memory_space<hbm>>) target(%arg7 : memref<16384xf32, #tpu.memory_space<vmem>>) target_semaphore(%arg12 : memref<!tpu.dma_semaphore, #tpu.memory_space<semaphore_mem>>)
    %broadcast_in_dim3A = arith.constant 0 : i32
    %broadcast_in_dim3A_39 = vector.broadcast %broadcast_in_dim3A : i32 to vector<16xi32>
    %scan3A = arith.constant 0 : i32
    %scan3A_40 = arith.constant 12 : i32
    %scan3A_41 = arith.addi %scan3A, %scan3A_40 : i32
    %scan3A_42 = arith.constant 1 : i32
    %scan3A_43:2 = scf.for %scan3A_77 = %scan3A to %scan3A_41 step %scan3A_42 iter_args(%scan3A_78 = %broadcast_in_dim3A_39, %scan3A_79 = %broadcast_in_dim3A_39) -> (vector<16xi32>, vector<16xi32>)  : i32 {
      %dma_wait3A_80 = arith.constant 0 : i32
      %dma_wait3A_81 = arith.constant 0 : i32
      %dma_wait3A_82 = tpu.memref_slice %arg2[%dma_wait3A_80, %dma_wait3A_81] : memref<2048x32768xf32, #tpu.memory_space<hbm>> -> memref<1x16384xf32, #tpu.memory_space<hbm>>
      %dma_wait3A_83 = tpu.memref_squeeze %dma_wait3A_82 : memref<1x16384xf32, #tpu.memory_space<hbm>> -> memref<16384xf32, #tpu.memory_space<hbm>>
      %dma_wait3A_84 = arith.constant 0 : i32
      %dma_wait3A_85 = tpu.memref_slice %arg2[%dma_wait3A_80, %dma_wait3A_84] : memref<2048x32768xf32, #tpu.memory_space<hbm>> -> memref<1x16384xf32, #tpu.memory_space<hbm>>
      %dma_wait3A_86 = tpu.memref_squeeze %dma_wait3A_85 : memref<1x16384xf32, #tpu.memory_space<hbm>> -> memref<16384xf32, #tpu.memory_space<hbm>>
      tpu.wait_dma2 semaphore(%arg9 : memref<!tpu.dma_semaphore, #tpu.memory_space<semaphore_mem>>) src(%dma_wait3A_86 : memref<16384xf32, #tpu.memory_space<hbm>>) dst(%arg4 : memref<16384xf32, #tpu.memory_space<vmem>>)
      %broadcast_in_dim3A_87 = arith.constant -1.000000e+00 : f32
      %broadcast_in_dim3A_88 = vector.broadcast %broadcast_in_dim3A_87 : f32 to vector<16xf32>
      %broadcast_in_dim3A_89 = arith.constant 0 : i32
      %broadcast_in_dim3A_90 = vector.broadcast %broadcast_in_dim3A_89 : i32 to vector<16xi32>
      %iota3A_91 = tpu.iota {dimensions = array<i32: 0>} : vector<16xi32>
      %parallel_loop3A = arith.constant 0 : i32
      %parallel_loop3A_92 = arith.constant 1024 : i32
      %parallel_loop3A_93 = arith.constant 8 : i32
      %parallel_loop3A_94:16 = scf.for %parallel_loop3A_373 = %parallel_loop3A to %parallel_loop3A_92 step %parallel_loop3A_93 iter_args(%parallel_loop3A_374 = %broadcast_in_dim3A_88, %parallel_loop3A_375 = %broadcast_in_dim3A_90, %parallel_loop3A_376 = %broadcast_in_dim3A_88, %parallel_loop3A_377 = %broadcast_in_dim3A_90, %parallel_loop3A_378 = %broadcast_in_dim3A_88, %parallel_loop3A_379 = %broadcast_in_dim3A_90, %parallel_loop3A_380 = %broadcast_in_dim3A_88, %parallel_loop3A_381 = %broadcast_in_dim3A_90, %parallel_loop3A_382 = %broadcast_in_dim3A_88, %parallel_loop3A_383 = %broadcast_in_dim3A_90, %parallel_loop3A_384 = %broadcast_in_dim3A_88, %parallel_loop3A_385 = %broadcast_in_dim3A_90, %parallel_loop3A_386 = %broadcast_in_dim3A_88, %parallel_loop3A_387 = %broadcast_in_dim3A_90, %parallel_loop3A_388 = %broadcast_in_dim3A_88, %parallel_loop3A_389 = %broadcast_in_dim3A_90) -> (vector<16xf32>, vector<16xi32>, vector<16xf32>, vector<16xi32>, vector<16xf32>, vector<16xi32>, vector<16xf32>, vector<16xi32>, vector<16xf32>, vector<16xi32>, vector<16xf32>, vector<16xi32>, vector<16xf32>, vector<16xi32>, vector<16xf32>, vector<16xi32>)  : i32 {
        %parallel_loop3A_390 = arith.constant 0 : i32
        %parallel_loop3A_391 = arith.addi %parallel_loop3A_373, %parallel_loop3A_390 : i32
        %parallel_loop3A_392 = arith.constant 16 : i32
        %parallel_loop3A_393 = arith.muli %parallel_loop3A_391, %parallel_loop3A_392 : i32
        %parallel_loop3A_394 = arith.index_cast %parallel_loop3A_393 : i32 to index
        %parallel_loop3A_395 = tpu.vector_load %arg4[%parallel_loop3A_394] {strides = array<i32>} : memref<16384xf32, #tpu.memory_space<vmem>>, vector<16xf32>,
        %parallel_loop3A_396 = arith.constant 0 : i32
        %parallel_loop3A_397 = arith.addi %parallel_loop3A_373, %parallel_loop3A_396 : i32
        %parallel_loop3A_398 = arith.constant 16 : i32
        %parallel_loop3A_399 = arith.muli %parallel_loop3A_397, %parallel_loop3A_398 : i32
        %parallel_loop3A_400 = arith.constant 0 : i32
        %parallel_loop3A_401 = arith.addi %parallel_loop3A_399, %parallel_loop3A_400 : i32
        %parallel_loop3A_402 = vector.broadcast %parallel_loop3A_401 : i32 to vector<16xi32>
        %parallel_loop3A_403 = arith.addi %iota3A_91, %parallel_loop3A_402 : vector<16xi32>
        %parallel_loop3A_404 = arith.cmpf ogt, %parallel_loop3A_395, %parallel_loop3A_374 : vector<16xf32>
        %parallel_loop3A_405 = arith.select %parallel_loop3A_404, %parallel_loop3A_395, %parallel_loop3A_374 : vector<16xi1>, vector<16xf32>
        %parallel_loop3A_406 = arith.select %parallel_loop3A_404, %parallel_loop3A_403, %parallel_loop3A_375 : vector<16xi1>, vector<16xi32>
        %parallel_loop3A_407 = arith.constant 1 : i32
        %parallel_loop3A_408 = arith.addi %parallel_loop3A_373, %parallel_loop3A_407 : i32
        %parallel_loop3A_409 = arith.constant 16 : i32
        %parallel_loop3A_410 = arith.muli %parallel_loop3A_408, %parallel_loop3A_409 : i32
        %parallel_loop3A_411 = arith.index_cast %parallel_loop3A_410 : i32 to index
        %parallel_loop3A_412 = tpu.vector_load %arg4[%parallel_loop3A_411] {strides = array<i32>} : memref<16384xf32, #tpu.memory_space<vmem>>, vector<16xf32>,
        %parallel_loop3A_413 = arith.constant 1 : i32
        %parallel_loop3A_414 = arith.addi %parallel_loop3A_373, %parallel_loop3A_413 : i32
        %parallel_loop3A_415 = arith.constant 16 : i32
        %parallel_loop3A_416 = arith.muli %parallel_loop3A_414, %parallel_loop3A_415 : i32
        %parallel_loop3A_417 = arith.constant 0 : i32
        %parallel_loop3A_418 = arith.addi %parallel_loop3A_416, %parallel_loop3A_417 : i32
        %parallel_loop3A_419 = vector.broadcast %parallel_loop3A_418 : i32 to vector<16xi32>
        %parallel_loop3A_420 = arith.addi %iota3A_91, %parallel_loop3A_419 : vector<16xi32>
        %parallel_loop3A_421 = arith.cmpf ogt, %parallel_loop3A_412, %parallel_loop3A_376 : vector<16xf32>
        %parallel_loop3A_422 = arith.select %parallel_loop3A_421, %parallel_loop3A_412, %parallel_loop3A_376 : vector<16xi1>, vector<16xf32>
        %parallel_loop3A_423 = arith.select %parallel_loop3A_421, %parallel_loop3A_420, %parallel_loop3A_377 : vector<16xi1>, vector<16xi32>
        %parallel_loop3A_424 = arith.constant 2 : i32
        %parallel_loop3A_425 = arith.addi %parallel_loop3A_373, %parallel_loop3A_424 : i32
        %parallel_loop3A_426 = arith.constant 16 : i32
        %parallel_loop3A_427 = arith.muli %parallel_loop3A_425, %parallel_loop3A_426 : i32
        %parallel_loop3A_428 = arith.index_cast %parallel_loop3A_427 : i32 to index
        %parallel_loop3A_429 = tpu.vector_load %arg4[%parallel_loop3A_428] {strides = array<i32>} : memref<16384xf32, #tpu.memory_space<vmem>>, vector<16xf32>,
        %parallel_loop3A_430 = arith.constant 2 : i32
        %parallel_loop3A_431 = arith.addi %parallel_loop3A_373, %parallel_loop3A_430 : i32
        %parallel_loop3A_432 = arith.constant 16 : i32
        %parallel_loop3A_433 = arith.muli %parallel_loop3A_431, %parallel_loop3A_432 : i32
        %parallel_loop3A_434 = arith.constant 0 : i32
        %parallel_loop3A_435 = arith.addi %parallel_loop3A_433, %parallel_loop3A_434 : i32
        %parallel_loop3A_436 = vector.broadcast %parallel_loop3A_435 : i32 to vector<16xi32>
        %parallel_loop3A_437 = arith.addi %iota3A_91, %parallel_loop3A_436 : vector<16xi32>
        %parallel_loop3A_438 = arith.cmpf ogt, %parallel_loop3A_429, %parallel_loop3A_378 : vector<16xf32>
        %parallel_loop3A_439 = arith.select %parallel_loop3A_438, %parallel_loop3A_429, %parallel_loop3A_378 : vector<16xi1>, vector<16xf32>
        %parallel_loop3A_440 = arith.select %parallel_loop3A_438, %parallel_loop3A_437, %parallel_loop3A_379 : vector<16xi1>, vector<16xi32>
        %parallel_loop3A_441 = arith.constant 3 : i32
        %parallel_loop3A_442 = arith.addi %parallel_loop3A_373, %parallel_loop3A_441 : i32
        %parallel_loop3A_443 = arith.constant 16 : i32
        %parallel_loop3A_444 = arith.muli %parallel_loop3A_442, %parallel_loop3A_443 : i32
        %parallel_loop3A_445 = arith.index_cast %parallel_loop3A_444 : i32 to index
        %parallel_loop3A_446 = tpu.vector_load %arg4[%parallel_loop3A_445] {strides = array<i32>} : memref<16384xf32, #tpu.memory_space<vmem>>, vector<16xf32>,
        %parallel_loop3A_447 = arith.constant 3 : i32
        %parallel_loop3A_448 = arith.addi %parallel_loop3A_373, %parallel_loop3A_447 : i32
        %parallel_loop3A_449 = arith.constant 16 : i32
        %parallel_loop3A_450 = arith.muli %parallel_loop3A_448, %parallel_loop3A_449 : i32
        %parallel_loop3A_451 = arith.constant 0 : i32
        %parallel_loop3A_452 = arith.addi %parallel_loop3A_450, %parallel_loop3A_451 : i32
        %parallel_loop3A_453 = vector.broadcast %parallel_loop3A_452 : i32 to vector<16xi32>
        %parallel_loop3A_454 = arith.addi %iota3A_91, %parallel_loop3A_453 : vector<16xi32>
        %parallel_loop3A_455 = arith.cmpf ogt, %parallel_loop3A_446, %parallel_loop3A_380 : vector<16xf32>
        %parallel_loop3A_456 = arith.select %parallel_loop3A_455, %parallel_loop3A_446, %parallel_loop3A_380 : vector<16xi1>, vector<16xf32>
        %parallel_loop3A_457 = arith.select %parallel_loop3A_455, %parallel_loop3A_454, %parallel_loop3A_381 : vector<16xi1>, vector<16xi32>
        %parallel_loop3A_458 = arith.constant 4 : i32
        %parallel_loop3A_459 = arith.addi %parallel_loop3A_373, %parallel_loop3A_458 : i32
        %parallel_loop3A_460 = arith.constant 16 : i32
        %parallel_loop3A_461 = arith.muli %parallel_loop3A_459, %parallel_loop3A_460 : i32
        %parallel_loop3A_462 = arith.index_cast %parallel_loop3A_461 : i32 to index
        %parallel_loop3A_463 = tpu.vector_load %arg4[%parallel_loop3A_462] {strides = array<i32>} : memref<16384xf32, #tpu.memory_space<vmem>>, vector<16xf32>,
        %parallel_loop3A_464 = arith.constant 4 : i32
        %parallel_loop3A_465 = arith.addi %parallel_loop3A_373, %parallel_loop3A_464 : i32
        %parallel_loop3A_466 = arith.constant 16 : i32
        %parallel_loop3A_467 = arith.muli %parallel_loop3A_465, %parallel_loop3A_466 : i32
        %parallel_loop3A_468 = arith.constant 0 : i32
        %parallel_loop3A_469 = arith.addi %parallel_loop3A_467, %parallel_loop3A_468 : i32
        %parallel_loop3A_470 = vector.broadcast %parallel_loop3A_469 : i32 to vector<16xi32>
        %parallel_loop3A_471 = arith.addi %iota3A_91, %parallel_loop3A_470 : vector<16xi32>
        %parallel_loop3A_472 = arith.cmpf ogt, %parallel_loop3A_463, %parallel_loop3A_382 : vector<16xf32>
        %parallel_loop3A_473 = arith.select %parallel_loop3A_472, %parallel_loop3A_463, %parallel_loop3A_382 : vector<16xi1>, vector<16xf32>
        %parallel_loop3A_474 = arith.select %parallel_loop3A_472, %parallel_loop3A_471, %parallel_loop3A_383 : vector<16xi1>, vector<16xi32>
        %parallel_loop3A_475 = arith.constant 5 : i32
        %parallel_loop3A_476 = arith.addi %parallel_loop3A_373, %parallel_loop3A_475 : i32
        %parallel_loop3A_477 = arith.constant 16 : i32
        %parallel_loop3A_478 = arith.muli %parallel_loop3A_476, %parallel_loop3A_477 : i32
        %parallel_loop3A_479 = arith.index_cast %parallel_loop3A_478 : i32 to index
        %parallel_loop3A_480 = tpu.vector_load %arg4[%parallel_loop3A_479] {strides = array<i32>} : memref<16384xf32, #tpu.memory_space<vmem>>, vector<16xf32>,
        %parallel_loop3A_481 = arith.constant 5 : i32
        %parallel_loop3A_482 = arith.addi %parallel_loop3A_373, %parallel_loop3A_481 : i32
        %parallel_loop3A_483 = arith.constant 16 : i32
        %parallel_loop3A_484 = arith.muli %parallel_loop3A_482, %parallel_loop3A_483 : i32
        %parallel_loop3A_485 = arith.constant 0 : i32
        %parallel_loop3A_486 = arith.addi %parallel_loop3A_484, %parallel_loop3A_485 : i32
        %parallel_loop3A_487 = vector.broadcast %parallel_loop3A_486 : i32 to vector<16xi32>
        %parallel_loop3A_488 = arith.addi %iota3A_91, %parallel_loop3A_487 : vector<16xi32>
        %parallel_loop3A_489 = arith.cmpf ogt, %parallel_loop3A_480, %parallel_loop3A_384 : vector<16xf32>
        %parallel_loop3A_490 = arith.select %parallel_loop3A_489, %parallel_loop3A_480, %parallel_loop3A_384 : vector<16xi1>, vector<16xf32>
        %parallel_loop3A_491 = arith.select %parallel_loop3A_489, %parallel_loop3A_488, %parallel_loop3A_385 : vector<16xi1>, vector<16xi32>
        %parallel_loop3A_492 = arith.constant 6 : i32
        %parallel_loop3A_493 = arith.addi %parallel_loop3A_373, %parallel_loop3A_492 : i32
        %parallel_loop3A_494 = arith.constant 16 : i32
        %parallel_loop3A_495 = arith.muli %parallel_loop3A_493, %parallel_loop3A_494 : i32
        %parallel_loop3A_496 = arith.index_cast %parallel_loop3A_495 : i32 to index
        %parallel_loop3A_497 = tpu.vector_load %arg4[%parallel_loop3A_496] {strides = array<i32>} : memref<16384xf32, #tpu.memory_space<vmem>>, vector<16xf32>,
        %parallel_loop3A_498 = arith.constant 6 : i32
        %parallel_loop3A_499 = arith.addi %parallel_loop3A_373, %parallel_loop3A_498 : i32
        %parallel_loop3A_500 = arith.constant 16 : i32
        %parallel_loop3A_501 = arith.muli %parallel_loop3A_499, %parallel_loop3A_500 : i32
        %parallel_loop3A_502 = arith.constant 0 : i32
        %parallel_loop3A_503 = arith.addi %parallel_loop3A_501, %parallel_loop3A_502 : i32
        %parallel_loop3A_504 = vector.broadcast %parallel_loop3A_503 : i32 to vector<16xi32>
        %parallel_loop3A_505 = arith.addi %iota3A_91, %parallel_loop3A_504 : vector<16xi32>
        %parallel_loop3A_506 = arith.cmpf ogt, %parallel_loop3A_497, %parallel_loop3A_386 : vector<16xf32>
        %parallel_loop3A_507 = arith.select %parallel_loop3A_506, %parallel_loop3A_497, %parallel_loop3A_386 : vector<16xi1>, vector<16xf32>
        %parallel_loop3A_508 = arith.select %parallel_loop3A_506, %parallel_loop3A_505, %parallel_loop3A_387 : vector<16xi1>, vector<16xi32>
        %parallel_loop3A_509 = arith.constant 7 : i32
        %parallel_loop3A_510 = arith.addi %parallel_loop3A_373, %parallel_loop3A_509 : i32
        %parallel_loop3A_511 = arith.constant 16 : i32
        %parallel_loop3A_512 = arith.muli %parallel_loop3A_510, %parallel_loop3A_511 : i32
        %parallel_loop3A_513 = arith.index_cast %parallel_loop3A_512 : i32 to index
        %parallel_loop3A_514 = tpu.vector_load %arg4[%parallel_loop3A_513] {strides = array<i32>} : memref<16384xf32, #tpu.memory_space<vmem>>, vector<16xf32>,
        %parallel_loop3A_515 = arith.constant 7 : i32
        %parallel_loop3A_516 = arith.addi %parallel_loop3A_373, %parallel_loop3A_515 : i32
        %parallel_loop3A_517 = arith.constant 16 : i32
        %parallel_loop3A_518 = arith.muli %parallel_loop3A_516, %parallel_loop3A_517 : i32
        %parallel_loop3A_519 = arith.constant 0 : i32
        %parallel_loop3A_520 = arith.addi %parallel_loop3A_518, %parallel_loop3A_519 : i32
        %parallel_loop3A_521 = vector.broadcast %parallel_loop3A_520 : i32 to vector<16xi32>
        %parallel_loop3A_522 = arith.addi %iota3A_91, %parallel_loop3A_521 : vector<16xi32>
        %parallel_loop3A_523 = arith.cmpf ogt, %parallel_loop3A_514, %parallel_loop3A_388 : vector<16xf32>
        %parallel_loop3A_524 = arith.select %parallel_loop3A_523, %parallel_loop3A_514, %parallel_loop3A_388 : vector<16xi1>, vector<16xf32>
        %parallel_loop3A_525 = arith.select %parallel_loop3A_523, %parallel_loop3A_522, %parallel_loop3A_389 : vector<16xi1>, vector<16xi32>
        scf.yield %parallel_loop3A_405, %parallel_loop3A_406, %parallel_loop3A_422, %parallel_loop3A_423, %parallel_loop3A_439, %parallel_loop3A_440, %parallel_loop3A_456, %parallel_loop3A_457, %parallel_loop3A_473, %parallel_loop3A_474, %parallel_loop3A_490, %parallel_loop3A_491, %parallel_loop3A_507, %parallel_loop3A_508, %parallel_loop3A_524, %parallel_loop3A_525 : vector<16xf32>, vector<16xi32>, vector<16xf32>, vector<16xi32>, vector<16xf32>, vector<16xi32>, vector<16xf32>, vector<16xi32>, vector<16xf32>, vector<16xi32>, vector<16xf32>, vector<16xi32>, vector<16xf32>, vector<16xi32>, vector<16xf32>, vector<16xi32>
      } {sc.loop_unroll_factor = 2 : i64, sc.parallel_access}
      %dma_wait3A_95 = arith.constant 0 : i32
      %dma_wait3A_96 = arith.constant 0 : i32
      %dma_wait3A_97 = tpu.memref_slice %arg2[%dma_wait3A_95, %dma_wait3A_96] : memref<2048x32768xf32, #tpu.memory_space<hbm>> -> memref<1x16384xf32, #tpu.memory_space<hbm>>
      %dma_wait3A_98 = tpu.memref_squeeze %dma_wait3A_97 : memref<1x16384xf32, #tpu.memory_space<hbm>> -> memref<16384xf32, #tpu.memory_space<hbm>>
      %dma_wait3A_99 = arith.constant 0 : i32
      %dma_wait3A_100 = tpu.memref_slice %arg2[%dma_wait3A_95, %dma_wait3A_99] : memref<2048x32768xf32, #tpu.memory_space<hbm>> -> memref<1x16384xf32, #tpu.memory_space<hbm>>
      %dma_wait3A_101 = tpu.memref_squeeze %dma_wait3A_100 : memref<1x16384xf32, #tpu.memory_space<hbm>> -> memref<16384xf32, #tpu.memory_space<hbm>>
      tpu.wait_dma2 semaphore(%arg10 : memref<!tpu.dma_semaphore, #tpu.memory_space<semaphore_mem>>) src(%dma_wait3A_101 : memref<16384xf32, #tpu.memory_space<hbm>>) dst(%arg5 : memref<16384xf32, #tpu.memory_space<vmem>>)
      %iota3A_102 = tpu.iota {dimensions = array<i32: 0>} : vector<16xi32>
      %parallel_loop3A_103 = arith.constant 0 : i32
      %parallel_loop3A_104 = arith.constant 1024 : i32
      %parallel_loop3A_105 = arith.constant 8 : i32
      %parallel_loop3A_106:16 = scf.for %parallel_loop3A_373 = %parallel_loop3A_103 to %parallel_loop3A_104 step %parallel_loop3A_105 iter_args(%parallel_loop3A_374 = %parallel_loop3A_94#0, %parallel_loop3A_375 = %parallel_loop3A_94#1, %parallel_loop3A_376 = %parallel_loop3A_94#2, %parallel_loop3A_377 = %parallel_loop3A_94#3, %parallel_loop3A_378 = %parallel_loop3A_94#4, %parallel_loop3A_379 = %parallel_loop3A_94#5, %parallel_loop3A_380 = %parallel_loop3A_94#6, %parallel_loop3A_381 = %parallel_loop3A_94#7, %parallel_loop3A_382 = %parallel_loop3A_94#8, %parallel_loop3A_383 = %parallel_loop3A_94#9, %parallel_loop3A_384 = %parallel_loop3A_94#10, %parallel_loop3A_385 = %parallel_loop3A_94#11, %parallel_loop3A_386 = %parallel_loop3A_94#12, %parallel_loop3A_387 = %parallel_loop3A_94#13, %parallel_loop3A_388 = %parallel_loop3A_94#14, %parallel_loop3A_389 = %parallel_loop3A_94#15) -> (vector<16xf32>, vector<16xi32>, vector<16xf32>, vector<16xi32>, vector<16xf32>, vector<16xi32>, vector<16xf32>, vector<16xi32>, vector<16xf32>, vector<16xi32>, vector<16xf32>, vector<16xi32>, vector<16xf32>, vector<16xi32>, vector<16xf32>, vector<16xi32>)  : i32 {
        %parallel_loop3A_390 = arith.constant 0 : i32
        %parallel_loop3A_391 = arith.addi %parallel_loop3A_373, %parallel_loop3A_390 : i32
        %parallel_loop3A_392 = arith.constant 16 : i32
        %parallel_loop3A_393 = arith.muli %parallel_loop3A_391, %parallel_loop3A_392 : i32
        %parallel_loop3A_394 = arith.index_cast %parallel_loop3A_393 : i32 to index
        %parallel_loop3A_395 = tpu.vector_load %arg5[%parallel_loop3A_394] {strides = array<i32>} : memref<16384xf32, #tpu.memory_space<vmem>>, vector<16xf32>,
        %parallel_loop3A_396 = arith.constant 0 : i32
        %parallel_loop3A_397 = arith.addi %parallel_loop3A_373, %parallel_loop3A_396 : i32
        %parallel_loop3A_398 = arith.constant 16 : i32
        %parallel_loop3A_399 = arith.muli %parallel_loop3A_397, %parallel_loop3A_398 : i32
        %parallel_loop3A_400 = arith.constant 16384 : i32
        %parallel_loop3A_401 = arith.addi %parallel_loop3A_399, %parallel_loop3A_400 : i32
        %parallel_loop3A_402 = vector.broadcast %parallel_loop3A_401 : i32 to vector<16xi32>
        %parallel_loop3A_403 = arith.addi %iota3A_102, %parallel_loop3A_402 : vector<16xi32>
        %parallel_loop3A_404 = arith.cmpf ogt, %parallel_loop3A_395, %parallel_loop3A_374 : vector<16xf32>
        %parallel_loop3A_405 = arith.select %parallel_loop3A_404, %parallel_loop3A_395, %parallel_loop3A_374 : vector<16xi1>, vector<16xf32>
        %parallel_loop3A_406 = arith.select %parallel_loop3A_404, %parallel_loop3A_403, %parallel_loop3A_375 : vector<16xi1>, vector<16xi32>
        %parallel_loop3A_407 = arith.constant 1 : i32
        %parallel_loop3A_408 = arith.addi %parallel_loop3A_373, %parallel_loop3A_407 : i32
        %parallel_loop3A_409 = arith.constant 16 : i32
        %parallel_loop3A_410 = arith.muli %parallel_loop3A_408, %parallel_loop3A_409 : i32
        %parallel_loop3A_411 = arith.index_cast %parallel_loop3A_410 : i32 to index
        %parallel_loop3A_412 = tpu.vector_load %arg5[%parallel_loop3A_411] {strides = array<i32>} : memref<16384xf32, #tpu.memory_space<vmem>>, vector<16xf32>,
        %parallel_loop3A_413 = arith.constant 1 : i32
        %parallel_loop3A_414 = arith.addi %parallel_loop3A_373, %parallel_loop3A_413 : i32
        %parallel_loop3A_415 = arith.constant 16 : i32
        %parallel_loop3A_416 = arith.muli %parallel_loop3A_414, %parallel_loop3A_415 : i32
        %parallel_loop3A_417 = arith.constant 16384 : i32
        %parallel_loop3A_418 = arith.addi %parallel_loop3A_416, %parallel_loop3A_417 : i32
        %parallel_loop3A_419 = vector.broadcast %parallel_loop3A_418 : i32 to vector<16xi32>
        %parallel_loop3A_420 = arith.addi %iota3A_102, %parallel_loop3A_419 : vector<16xi32>
        %parallel_loop3A_421 = arith.cmpf ogt, %parallel_loop3A_412, %parallel_loop3A_376 : vector<16xf32>
        %parallel_loop3A_422 = arith.select %parallel_loop3A_421, %parallel_loop3A_412, %parallel_loop3A_376 : vector<16xi1>, vector<16xf32>
        %parallel_loop3A_423 = arith.select %parallel_loop3A_421, %parallel_loop3A_420, %parallel_loop3A_377 : vector<16xi1>, vector<16xi32>
        %parallel_loop3A_424 = arith.constant 2 : i32
        %parallel_loop3A_425 = arith.addi %parallel_loop3A_373, %parallel_loop3A_424 : i32
        %parallel_loop3A_426 = arith.constant 16 : i32
        %parallel_loop3A_427 = arith.muli %parallel_loop3A_425, %parallel_loop3A_426 : i32
        %parallel_loop3A_428 = arith.index_cast %parallel_loop3A_427 : i32 to index
        %parallel_loop3A_429 = tpu.vector_load %arg5[%parallel_loop3A_428] {strides = array<i32>} : memref<16384xf32, #tpu.memory_space<vmem>>, vector<16xf32>,
        %parallel_loop3A_430 = arith.constant 2 : i32
        %parallel_loop3A_431 = arith.addi %parallel_loop3A_373, %parallel_loop3A_430 : i32
        %parallel_loop3A_432 = arith.constant 16 : i32
        %parallel_loop3A_433 = arith.muli %parallel_loop3A_431, %parallel_loop3A_432 : i32
        %parallel_loop3A_434 = arith.constant 16384 : i32
        %parallel_loop3A_435 = arith.addi %parallel_loop3A_433, %parallel_loop3A_434 : i32
        %parallel_loop3A_436 = vector.broadcast %parallel_loop3A_435 : i32 to vector<16xi32>
        %parallel_loop3A_437 = arith.addi %iota3A_102, %parallel_loop3A_436 : vector<16xi32>
        %parallel_loop3A_438 = arith.cmpf ogt, %parallel_loop3A_429, %parallel_loop3A_378 : vector<16xf32>
        %parallel_loop3A_439 = arith.select %parallel_loop3A_438, %parallel_loop3A_429, %parallel_loop3A_378 : vector<16xi1>, vector<16xf32>
        %parallel_loop3A_440 = arith.select %parallel_loop3A_438, %parallel_loop3A_437, %parallel_loop3A_379 : vector<16xi1>, vector<16xi32>
        %parallel_loop3A_441 = arith.constant 3 : i32
        %parallel_loop3A_442 = arith.addi %parallel_loop3A_373, %parallel_loop3A_441 : i32
        %parallel_loop3A_443 = arith.constant 16 : i32
        %parallel_loop3A_444 = arith.muli %parallel_loop3A_442, %parallel_loop3A_443 : i32
        %parallel_loop3A_445 = arith.index_cast %parallel_loop3A_444 : i32 to index
        %parallel_loop3A_446 = tpu.vector_load %arg5[%parallel_loop3A_445] {strides = array<i32>} : memref<16384xf32, #tpu.memory_space<vmem>>, vector<16xf32>,
        %parallel_loop3A_447 = arith.constant 3 : i32
        %parallel_loop3A_448 = arith.addi %parallel_loop3A_373, %parallel_loop3A_447 : i32
        %parallel_loop3A_449 = arith.constant 16 : i32
        %parallel_loop3A_450 = arith.muli %parallel_loop3A_448, %parallel_loop3A_449 : i32
        %parallel_loop3A_451 = arith.constant 16384 : i32
        %parallel_loop3A_452 = arith.addi %parallel_loop3A_450, %parallel_loop3A_451 : i32
        %parallel_loop3A_453 = vector.broadcast %parallel_loop3A_452 : i32 to vector<16xi32>
        %parallel_loop3A_454 = arith.addi %iota3A_102, %parallel_loop3A_453 : vector<16xi32>
        %parallel_loop3A_455 = arith.cmpf ogt, %parallel_loop3A_446, %parallel_loop3A_380 : vector<16xf32>
        %parallel_loop3A_456 = arith.select %parallel_loop3A_455, %parallel_loop3A_446, %parallel_loop3A_380 : vector<16xi1>, vector<16xf32>
        %parallel_loop3A_457 = arith.select %parallel_loop3A_455, %parallel_loop3A_454, %parallel_loop3A_381 : vector<16xi1>, vector<16xi32>
        %parallel_loop3A_458 = arith.constant 4 : i32
        %parallel_loop3A_459 = arith.addi %parallel_loop3A_373, %parallel_loop3A_458 : i32
        %parallel_loop3A_460 = arith.constant 16 : i32
        %parallel_loop3A_461 = arith.muli %parallel_loop3A_459, %parallel_loop3A_460 : i32
        %parallel_loop3A_462 = arith.index_cast %parallel_loop3A_461 : i32 to index
        %parallel_loop3A_463 = tpu.vector_load %arg5[%parallel_loop3A_462] {strides = array<i32>} : memref<16384xf32, #tpu.memory_space<vmem>>, vector<16xf32>,
        %parallel_loop3A_464 = arith.constant 4 : i32
        %parallel_loop3A_465 = arith.addi %parallel_loop3A_373, %parallel_loop3A_464 : i32
        %parallel_loop3A_466 = arith.constant 16 : i32
        %parallel_loop3A_467 = arith.muli %parallel_loop3A_465, %parallel_loop3A_466 : i32
        %parallel_loop3A_468 = arith.constant 16384 : i32
        %parallel_loop3A_469 = arith.addi %parallel_loop3A_467, %parallel_loop3A_468 : i32
        %parallel_loop3A_470 = vector.broadcast %parallel_loop3A_469 : i32 to vector<16xi32>
        %parallel_loop3A_471 = arith.addi %iota3A_102, %parallel_loop3A_470 : vector<16xi32>
        %parallel_loop3A_472 = arith.cmpf ogt, %parallel_loop3A_463, %parallel_loop3A_382 : vector<16xf32>
        %parallel_loop3A_473 = arith.select %parallel_loop3A_472, %parallel_loop3A_463, %parallel_loop3A_382 : vector<16xi1>, vector<16xf32>
        %parallel_loop3A_474 = arith.select %parallel_loop3A_472, %parallel_loop3A_471, %parallel_loop3A_383 : vector<16xi1>, vector<16xi32>
        %parallel_loop3A_475 = arith.constant 5 : i32
        %parallel_loop3A_476 = arith.addi %parallel_loop3A_373, %parallel_loop3A_475 : i32
        %parallel_loop3A_477 = arith.constant 16 : i32
        %parallel_loop3A_478 = arith.muli %parallel_loop3A_476, %parallel_loop3A_477 : i32
        %parallel_loop3A_479 = arith.index_cast %parallel_loop3A_478 : i32 to index
        %parallel_loop3A_480 = tpu.vector_load %arg5[%parallel_loop3A_479] {strides = array<i32>} : memref<16384xf32, #tpu.memory_space<vmem>>, vector<16xf32>,
        %parallel_loop3A_481 = arith.constant 5 : i32
        %parallel_loop3A_482 = arith.addi %parallel_loop3A_373, %parallel_loop3A_481 : i32
        %parallel_loop3A_483 = arith.constant 16 : i32
        %parallel_loop3A_484 = arith.muli %parallel_loop3A_482, %parallel_loop3A_483 : i32
        %parallel_loop3A_485 = arith.constant 16384 : i32
        %parallel_loop3A_486 = arith.addi %parallel_loop3A_484, %parallel_loop3A_485 : i32
        %parallel_loop3A_487 = vector.broadcast %parallel_loop3A_486 : i32 to vector<16xi32>
        %parallel_loop3A_488 = arith.addi %iota3A_102, %parallel_loop3A_487 : vector<16xi32>
        %parallel_loop3A_489 = arith.cmpf ogt, %parallel_loop3A_480, %parallel_loop3A_384 : vector<16xf32>
        %parallel_loop3A_490 = arith.select %parallel_loop3A_489, %parallel_loop3A_480, %parallel_loop3A_384 : vector<16xi1>, vector<16xf32>
        %parallel_loop3A_491 = arith.select %parallel_loop3A_489, %parallel_loop3A_488, %parallel_loop3A_385 : vector<16xi1>, vector<16xi32>
        %parallel_loop3A_492 = arith.constant 6 : i32
        %parallel_loop3A_493 = arith.addi %parallel_loop3A_373, %parallel_loop3A_492 : i32
        %parallel_loop3A_494 = arith.constant 16 : i32
        %parallel_loop3A_495 = arith.muli %parallel_loop3A_493, %parallel_loop3A_494 : i32
        %parallel_loop3A_496 = arith.index_cast %parallel_loop3A_495 : i32 to index
        %parallel_loop3A_497 = tpu.vector_load %arg5[%parallel_loop3A_496] {strides = array<i32>} : memref<16384xf32, #tpu.memory_space<vmem>>, vector<16xf32>,
        %parallel_loop3A_498 = arith.constant 6 : i32
        %parallel_loop3A_499 = arith.addi %parallel_loop3A_373, %parallel_loop3A_498 : i32
        %parallel_loop3A_500 = arith.constant 16 : i32
        %parallel_loop3A_501 = arith.muli %parallel_loop3A_499, %parallel_loop3A_500 : i32
        %parallel_loop3A_502 = arith.constant 16384 : i32
        %parallel_loop3A_503 = arith.addi %parallel_loop3A_501, %parallel_loop3A_502 : i32
        %parallel_loop3A_504 = vector.broadcast %parallel_loop3A_503 : i32 to vector<16xi32>
        %parallel_loop3A_505 = arith.addi %iota3A_102, %parallel_loop3A_504 : vector<16xi32>
        %parallel_loop3A_506 = arith.cmpf ogt, %parallel_loop3A_497, %parallel_loop3A_386 : vector<16xf32>
        %parallel_loop3A_507 = arith.select %parallel_loop3A_506, %parallel_loop3A_497, %parallel_loop3A_386 : vector<16xi1>, vector<16xf32>
        %parallel_loop3A_508 = arith.select %parallel_loop3A_506, %parallel_loop3A_505, %parallel_loop3A_387 : vector<16xi1>, vector<16xi32>
        %parallel_loop3A_509 = arith.constant 7 : i32
        %parallel_loop3A_510 = arith.addi %parallel_loop3A_373, %parallel_loop3A_509 : i32
        %parallel_loop3A_511 = arith.constant 16 : i32
        %parallel_loop3A_512 = arith.muli %parallel_loop3A_510, %parallel_loop3A_511 : i32
        %parallel_loop3A_513 = arith.index_cast %parallel_loop3A_512 : i32 to index
        %parallel_loop3A_514 = tpu.vector_load %arg5[%parallel_loop3A_513] {strides = array<i32>} : memref<16384xf32, #tpu.memory_space<vmem>>, vector<16xf32>,
        %parallel_loop3A_515 = arith.constant 7 : i32
        %parallel_loop3A_516 = arith.addi %parallel_loop3A_373, %parallel_loop3A_515 : i32
        %parallel_loop3A_517 = arith.constant 16 : i32
        %parallel_loop3A_518 = arith.muli %parallel_loop3A_516, %parallel_loop3A_517 : i32
        %parallel_loop3A_519 = arith.constant 16384 : i32
        %parallel_loop3A_520 = arith.addi %parallel_loop3A_518, %parallel_loop3A_519 : i32
        %parallel_loop3A_521 = vector.broadcast %parallel_loop3A_520 : i32 to vector<16xi32>
        %parallel_loop3A_522 = arith.addi %iota3A_102, %parallel_loop3A_521 : vector<16xi32>
        %parallel_loop3A_523 = arith.cmpf ogt, %parallel_loop3A_514, %parallel_loop3A_388 : vector<16xf32>
        %parallel_loop3A_524 = arith.select %parallel_loop3A_523, %parallel_loop3A_514, %parallel_loop3A_388 : vector<16xi1>, vector<16xf32>
        %parallel_loop3A_525 = arith.select %parallel_loop3A_523, %parallel_loop3A_522, %parallel_loop3A_389 : vector<16xi1>, vector<16xi32>
        scf.yield %parallel_loop3A_405, %parallel_loop3A_406, %parallel_loop3A_422, %parallel_loop3A_423, %parallel_loop3A_439, %parallel_loop3A_440, %parallel_loop3A_456, %parallel_loop3A_457, %parallel_loop3A_473, %parallel_loop3A_474, %parallel_loop3A_490, %parallel_loop3A_491, %parallel_loop3A_507, %parallel_loop3A_508, %parallel_loop3A_524, %parallel_loop3A_525 : vector<16xf32>, vector<16xi32>, vector<16xf32>, vector<16xi32>, vector<16xf32>, vector<16xi32>, vector<16xf32>, vector<16xi32>, vector<16xf32>, vector<16xi32>, vector<16xf32>, vector<16xi32>, vector<16xf32>, vector<16xi32>, vector<16xf32>, vector<16xi32>
      } {sc.loop_unroll_factor = 2 : i64, sc.parallel_access}
      %gt3A = arith.cmpf ogt, %parallel_loop3A_106#2, %parallel_loop3A_106#0 : vector<16xf32>
      %eq3A = arith.cmpf oeq, %parallel_loop3A_106#2, %parallel_loop3A_106#0 : vector<16xf32>
      %lt3A = arith.cmpi slt, %parallel_loop3A_106#3, %parallel_loop3A_106#1 : vector<16xi32>
      %and3A = arith.andi %eq3A, %lt3A : vector<16xi1>
      %or3A = arith.ori %gt3A, %and3A : vector<16xi1>
      %select_n3A = arith.select %or3A, %parallel_loop3A_106#2, %parallel_loop3A_106#0 : vector<16xi1>, vector<16xf32>
      %select_n3A_107 = arith.select %or3A, %parallel_loop3A_106#3, %parallel_loop3A_106#1 : vector<16xi1>, vector<16xi32>
      %gt3A_108 = arith.cmpf ogt, %parallel_loop3A_106#4, %select_n3A : vector<16xf32>
      %eq3A_109 = arith.cmpf oeq, %parallel_loop3A_106#4, %select_n3A : vector<16xf32>
      %lt3A_110 = arith.cmpi slt, %parallel_loop3A_106#5, %select_n3A_107 : vector<16xi32>
      %and3A_111 = arith.andi %eq3A_109, %lt3A_110 : vector<16xi1>
      %or3A_112 = arith.ori %gt3A_108, %and3A_111 : vector<16xi1>
      %select_n3A_113 = arith.select %or3A_112, %parallel_loop3A_106#4, %select_n3A : vector<16xi1>, vector<16xf32>
      %select_n3A_114 = arith.select %or3A_112, %parallel_loop3A_106#5, %select_n3A_107 : vector<16xi1>, vector<16xi32>
      %gt3A_115 = arith.cmpf ogt, %parallel_loop3A_106#6, %select_n3A_113 : vector<16xf32>
      %eq3A_116 = arith.cmpf oeq, %parallel_loop3A_106#6, %select_n3A_113 : vector<16xf32>
      %lt3A_117 = arith.cmpi slt, %parallel_loop3A_106#7, %select_n3A_114 : vector<16xi32>
      %and3A_118 = arith.andi %eq3A_116, %lt3A_117 : vector<16xi1>
      %or3A_119 = arith.ori %gt3A_115, %and3A_118 : vector<16xi1>
      %select_n3A_120 = arith.select %or3A_119, %parallel_loop3A_106#6, %select_n3A_113 : vector<16xi1>, vector<16xf32>
      %select_n3A_121 = arith.select %or3A_119, %parallel_loop3A_106#7, %select_n3A_114 : vector<16xi1>, vector<16xi32>
      %gt3A_122 = arith.cmpf ogt, %parallel_loop3A_106#8, %select_n3A_120 : vector<16xf32>
      %eq3A_123 = arith.cmpf oeq, %parallel_loop3A_106#8, %select_n3A_120 : vector<16xf32>
      %lt3A_124 = arith.cmpi slt, %parallel_loop3A_106#9, %select_n3A_121 : vector<16xi32>
      %and3A_125 = arith.andi %eq3A_123, %lt3A_124 : vector<16xi1>
      %or3A_126 = arith.ori %gt3A_122, %and3A_125 : vector<16xi1>
      %select_n3A_127 = arith.select %or3A_126, %parallel_loop3A_106#8, %select_n3A_120 : vector<16xi1>, vector<16xf32>
      %select_n3A_128 = arith.select %or3A_126, %parallel_loop3A_106#9, %select_n3A_121 : vector<16xi1>, vector<16xi32>
      %gt3A_129 = arith.cmpf ogt, %parallel_loop3A_106#10, %select_n3A_127 : vector<16xf32>
      %eq3A_130 = arith.cmpf oeq, %parallel_loop3A_106#10, %select_n3A_127 : vector<16xf32>
      %lt3A_131 = arith.cmpi slt, %parallel_loop3A_106#11, %select_n3A_128 : vector<16xi32>
      %and3A_132 = arith.andi %eq3A_130, %lt3A_131 : vector<16xi1>
      %or3A_133 = arith.ori %gt3A_129, %and3A_132 : vector<16xi1>
      %select_n3A_134 = arith.select %or3A_133, %parallel_loop3A_106#10, %select_n3A_127 : vector<16xi1>, vector<16xf32>
      %select_n3A_135 = arith.select %or3A_133, %parallel_loop3A_106#11, %select_n3A_128 : vector<16xi1>, vector<16xi32>
      %gt3A_136 = arith.cmpf ogt, %parallel_loop3A_106#12, %select_n3A_134 : vector<16xf32>
      %eq3A_137 = arith.cmpf oeq, %parallel_loop3A_106#12, %select_n3A_134 : vector<16xf32>
      %lt3A_138 = arith.cmpi slt, %parallel_loop3A_106#13, %select_n3A_135 : vector<16xi32>
      %and3A_139 = arith.andi %eq3A_137, %lt3A_138 : vector<16xi1>
      %or3A_140 = arith.ori %gt3A_136, %and3A_139 : vector<16xi1>
      %select_n3A_141 = arith.select %or3A_140, %parallel_loop3A_106#12, %select_n3A_134 : vector<16xi1>, vector<16xf32>
      %select_n3A_142 = arith.select %or3A_140, %parallel_loop3A_106#13, %select_n3A_135 : vector<16xi1>, vector<16xi32>
      %gt3A_143 = arith.cmpf ogt, %parallel_loop3A_106#14, %select_n3A_141 : vector<16xf32>
      %eq3A_144 = arith.cmpf oeq, %parallel_loop3A_106#14, %select_n3A_141 : vector<16xf32>
      %lt3A_145 = arith.cmpi slt, %parallel_loop3A_106#15, %select_n3A_142 : vector<16xi32>
      %and3A_146 = arith.andi %eq3A_144, %lt3A_145 : vector<16xi1>
      %or3A_147 = arith.ori %gt3A_143, %and3A_146 : vector<16xi1>
      %select_n3A_148 = arith.select %or3A_147, %parallel_loop3A_106#14, %select_n3A_141 : vector<16xi1>, vector<16xf32>
      %select_n3A_149 = arith.select %or3A_147, %parallel_loop3A_106#15, %select_n3A_142 : vector<16xi1>, vector<16xi32>
      %reduce_max3A = arith.constant true
      %reduce_max3A_150 = vector.broadcast %reduce_max3A : i1 to vector<16xi1>
      %reduce_max3A_151 = tpu.scan <max>, %select_n3A_148 masked %reduce_max3A_150 : vector<16xf32>, vector<16xi1> -> vector<16xf32>
      %reduce_max3A_152 = vector.extract %reduce_max3A_151[15] : f32 from vector<16xf32>
      %eq3A_153 = vector.broadcast %reduce_max3A_152 : f32 to vector<16xf32>
      %eq3A_154 = arith.cmpf oeq, %select_n3A_148, %eq3A_153 : vector<16xf32>
      %jit3A = arith.constant 32768 : i32
      %broadcast_in_dim3A_155 = vector.broadcast %jit3A : i32 to vector<16xi32>
      %select_n3A_156 = arith.select %eq3A_154, %select_n3A_149, %broadcast_in_dim3A_155 : vector<16xi1>, vector<16xi32>
      %reduce_min3A = arith.constant true
      %reduce_min3A_157 = vector.broadcast %reduce_min3A : i1 to vector<16xi1>
      %reduce_min3A_158 = arith.constant -2147483648 : i32
      %reduce_min3A_159 = vector.broadcast %reduce_min3A_158 : i32 to vector<16xi32>
      %reduce_min3A_160 = arith.xori %select_n3A_156, %reduce_min3A_159 : vector<16xi32>
      %reduce_min3A_161 = tpu.scan <min>, %reduce_min3A_160 masked %reduce_min3A_157 : vector<16xi32>, vector<16xi1> -> vector<16xi32>
      %reduce_min3A_162 = arith.xori %reduce_min3A_161, %reduce_min3A_159 : vector<16xi32>
      %reduce_min3A_163 = vector.extract %reduce_min3A_162[15] : i32 from vector<16xi32>
      %mul3A_164 = arith.constant 2 : i32
      %mul3A_165 = arith.muli %mul3A_164, %scan3A_77 : i32
      %add3A_166 = arith.addi %add3A_4, %mul3A_165 : i32
      %add3A_167 = arith.constant 2 : i32
      %add3A_168 = arith.addi %add3A_166, %add3A_167 : i32
      %min3A_169 = arith.constant 2047 : i32
      %min3A_170 = arith.minsi %add3A_168, %min3A_169 : i32
      %dma_start3A_171 = arith.constant 0 : i32
      %dma_start3A_172 = tpu.memref_slice %arg2[%min3A_170, %dma_start3A_171] : memref<2048x32768xf32, #tpu.memory_space<hbm>> -> memref<1x16384xf32, #tpu.memory_space<hbm>>
      %dma_start3A_173 = tpu.memref_squeeze %dma_start3A_172 : memref<1x16384xf32, #tpu.memory_space<hbm>> -> memref<16384xf32, #tpu.memory_space<hbm>>
      %dma_start3A_174 = arith.constant 0 : i32
      %dma_start3A_175 = tpu.memref_slice %arg2[%min3A_170, %dma_start3A_174] : memref<2048x32768xf32, #tpu.memory_space<hbm>> -> memref<1x16384xf32, #tpu.memory_space<hbm>>
      %dma_start3A_176 = tpu.memref_squeeze %dma_start3A_175 : memref<1x16384xf32, #tpu.memory_space<hbm>> -> memref<16384xf32, #tpu.memory_space<hbm>>
      tpu.enqueue_dma source(%dma_start3A_176 : memref<16384xf32, #tpu.memory_space<hbm>>) target(%arg4 : memref<16384xf32, #tpu.memory_space<vmem>>) target_semaphore(%arg9 : memref<!tpu.dma_semaphore, #tpu.memory_space<semaphore_mem>>)
      %mul3A_177 = arith.constant 2 : i32
      %mul3A_178 = arith.muli %mul3A_177, %scan3A_77 : i32
      %add3A_179 = arith.addi %add3A_4, %mul3A_178 : i32
      %add3A_180 = arith.constant 2 : i32
      %add3A_181 = arith.addi %add3A_179, %add3A_180 : i32
      %min3A_182 = arith.constant 2047 : i32
      %min3A_183 = arith.minsi %add3A_181, %min3A_182 : i32
      %dma_start3A_184 = arith.constant 16384 : i32
      %dma_start3A_185 = tpu.memref_slice %arg2[%min3A_183, %dma_start3A_184] : memref<2048x32768xf32, #tpu.memory_space<hbm>> -> memref<1x16384xf32, #tpu.memory_space<hbm>>
      %dma_start3A_186 = tpu.memref_squeeze %dma_start3A_185 : memref<1x16384xf32, #tpu.memory_space<hbm>> -> memref<16384xf32, #tpu.memory_space<hbm>>
      %dma_start3A_187 = arith.constant 16384 : i32
      %dma_start3A_188 = tpu.memref_slice %arg2[%min3A_183, %dma_start3A_187] : memref<2048x32768xf32, #tpu.memory_space<hbm>> -> memref<1x16384xf32, #tpu.memory_space<hbm>>
      %dma_start3A_189 = tpu.memref_squeeze %dma_start3A_188 : memref<1x16384xf32, #tpu.memory_space<hbm>> -> memref<16384xf32, #tpu.memory_space<hbm>>
      tpu.enqueue_dma source(%dma_start3A_189 : memref<16384xf32, #tpu.memory_space<hbm>>) target(%arg5 : memref<16384xf32, #tpu.memory_space<vmem>>) target_semaphore(%arg10 : memref<!tpu.dma_semaphore, #tpu.memory_space<semaphore_mem>>)
      %dma_wait3A_190 = arith.constant 0 : i32
      %dma_wait3A_191 = arith.constant 0 : i32
      %dma_wait3A_192 = tpu.memref_slice %arg2[%dma_wait3A_190, %dma_wait3A_191] : memref<2048x32768xf32, #tpu.memory_space<hbm>> -> memref<1x16384xf32, #tpu.memory_space<hbm>>
      %dma_wait3A_193 = tpu.memref_squeeze %dma_wait3A_192 : memref<1x16384xf32, #tpu.memory_space<hbm>> -> memref<16384xf32, #tpu.memory_space<hbm>>
      %dma_wait3A_194 = arith.constant 0 : i32
      %dma_wait3A_195 = tpu.memref_slice %arg2[%dma_wait3A_190, %dma_wait3A_194] : memref<2048x32768xf32, #tpu.memory_space<hbm>> -> memref<1x16384xf32, #tpu.memory_space<hbm>>
      %dma_wait3A_196 = tpu.memref_squeeze %dma_wait3A_195 : memref<1x16384xf32, #tpu.memory_space<hbm>> -> memref<16384xf32, #tpu.memory_space<hbm>>
      tpu.wait_dma2 semaphore(%arg11 : memref<!tpu.dma_semaphore, #tpu.memory_space<semaphore_mem>>) src(%dma_wait3A_196 : memref<16384xf32, #tpu.memory_space<hbm>>) dst(%arg6 : memref<16384xf32, #tpu.memory_space<vmem>>)
      %broadcast_in_dim3A_197 = arith.constant -1.000000e+00 : f32
      %broadcast_in_dim3A_198 = vector.broadcast %broadcast_in_dim3A_197 : f32 to vector<16xf32>
      %broadcast_in_dim3A_199 = arith.constant 0 : i32
      %broadcast_in_dim3A_200 = vector.broadcast %broadcast_in_dim3A_199 : i32 to vector<16xi32>
      %iota3A_201 = tpu.iota {dimensions = array<i32: 0>} : vector<16xi32>
      %parallel_loop3A_202 = arith.constant 0 : i32
      %parallel_loop3A_203 = arith.constant 1024 : i32
      %parallel_loop3A_204 = arith.constant 8 : i32
      %parallel_loop3A_205:16 = scf.for %parallel_loop3A_373 = %parallel_loop3A_202 to %parallel_loop3A_203 step %parallel_loop3A_204 iter_args(%parallel_loop3A_374 = %broadcast_in_dim3A_198, %parallel_loop3A_375 = %broadcast_in_dim3A_200, %parallel_loop3A_376 = %broadcast_in_dim3A_198, %parallel_loop3A_377 = %broadcast_in_dim3A_200, %parallel_loop3A_378 = %broadcast_in_dim3A_198, %parallel_loop3A_379 = %broadcast_in_dim3A_200, %parallel_loop3A_380 = %broadcast_in_dim3A_198, %parallel_loop3A_381 = %broadcast_in_dim3A_200, %parallel_loop3A_382 = %broadcast_in_dim3A_198, %parallel_loop3A_383 = %broadcast_in_dim3A_200, %parallel_loop3A_384 = %broadcast_in_dim3A_198, %parallel_loop3A_385 = %broadcast_in_dim3A_200, %parallel_loop3A_386 = %broadcast_in_dim3A_198, %parallel_loop3A_387 = %broadcast_in_dim3A_200, %parallel_loop3A_388 = %broadcast_in_dim3A_198, %parallel_loop3A_389 = %broadcast_in_dim3A_200) -> (vector<16xf32>, vector<16xi32>, vector<16xf32>, vector<16xi32>, vector<16xf32>, vector<16xi32>, vector<16xf32>, vector<16xi32>, vector<16xf32>, vector<16xi32>, vector<16xf32>, vector<16xi32>, vector<16xf32>, vector<16xi32>, vector<16xf32>, vector<16xi32>)  : i32 {
        %parallel_loop3A_390 = arith.constant 0 : i32
        %parallel_loop3A_391 = arith.addi %parallel_loop3A_373, %parallel_loop3A_390 : i32
        %parallel_loop3A_392 = arith.constant 16 : i32
        %parallel_loop3A_393 = arith.muli %parallel_loop3A_391, %parallel_loop3A_392 : i32
        %parallel_loop3A_394 = arith.index_cast %parallel_loop3A_393 : i32 to index
        %parallel_loop3A_395 = tpu.vector_load %arg6[%parallel_loop3A_394] {strides = array<i32>} : memref<16384xf32, #tpu.memory_space<vmem>>, vector<16xf32>,
        %parallel_loop3A_396 = arith.constant 0 : i32
        %parallel_loop3A_397 = arith.addi %parallel_loop3A_373, %parallel_loop3A_396 : i32
        %parallel_loop3A_398 = arith.constant 16 : i32
        %parallel_loop3A_399 = arith.muli %parallel_loop3A_397, %parallel_loop3A_398 : i32
        %parallel_loop3A_400 = arith.constant 0 : i32
        %parallel_loop3A_401 = arith.addi %parallel_loop3A_399, %parallel_loop3A_400 : i32
        %parallel_loop3A_402 = vector.broadcast %parallel_loop3A_401 : i32 to vector<16xi32>
        %parallel_loop3A_403 = arith.addi %iota3A_201, %parallel_loop3A_402 : vector<16xi32>
        %parallel_loop3A_404 = arith.cmpf ogt, %parallel_loop3A_395, %parallel_loop3A_374 : vector<16xf32>
        %parallel_loop3A_405 = arith.select %parallel_loop3A_404, %parallel_loop3A_395, %parallel_loop3A_374 : vector<16xi1>, vector<16xf32>
        %parallel_loop3A_406 = arith.select %parallel_loop3A_404, %parallel_loop3A_403, %parallel_loop3A_375 : vector<16xi1>, vector<16xi32>
        %parallel_loop3A_407 = arith.constant 1 : i32
        %parallel_loop3A_408 = arith.addi %parallel_loop3A_373, %parallel_loop3A_407 : i32
        %parallel_loop3A_409 = arith.constant 16 : i32
        %parallel_loop3A_410 = arith.muli %parallel_loop3A_408, %parallel_loop3A_409 : i32
        %parallel_loop3A_411 = arith.index_cast %parallel_loop3A_410 : i32 to index
        %parallel_loop3A_412 = tpu.vector_load %arg6[%parallel_loop3A_411] {strides = array<i32>} : memref<16384xf32, #tpu.memory_space<vmem>>, vector<16xf32>,
        %parallel_loop3A_413 = arith.constant 1 : i32
        %parallel_loop3A_414 = arith.addi %parallel_loop3A_373, %parallel_loop3A_413 : i32
        %parallel_loop3A_415 = arith.constant 16 : i32
        %parallel_loop3A_416 = arith.muli %parallel_loop3A_414, %parallel_loop3A_415 : i32
        %parallel_loop3A_417 = arith.constant 0 : i32
        %parallel_loop3A_418 = arith.addi %parallel_loop3A_416, %parallel_loop3A_417 : i32
        %parallel_loop3A_419 = vector.broadcast %parallel_loop3A_418 : i32 to vector<16xi32>
        %parallel_loop3A_420 = arith.addi %iota3A_201, %parallel_loop3A_419 : vector<16xi32>
        %parallel_loop3A_421 = arith.cmpf ogt, %parallel_loop3A_412, %parallel_loop3A_376 : vector<16xf32>
        %parallel_loop3A_422 = arith.select %parallel_loop3A_421, %parallel_loop3A_412, %parallel_loop3A_376 : vector<16xi1>, vector<16xf32>
        %parallel_loop3A_423 = arith.select %parallel_loop3A_421, %parallel_loop3A_420, %parallel_loop3A_377 : vector<16xi1>, vector<16xi32>
        %parallel_loop3A_424 = arith.constant 2 : i32
        %parallel_loop3A_425 = arith.addi %parallel_loop3A_373, %parallel_loop3A_424 : i32
        %parallel_loop3A_426 = arith.constant 16 : i32
        %parallel_loop3A_427 = arith.muli %parallel_loop3A_425, %parallel_loop3A_426 : i32
        %parallel_loop3A_428 = arith.index_cast %parallel_loop3A_427 : i32 to index
        %parallel_loop3A_429 = tpu.vector_load %arg6[%parallel_loop3A_428] {strides = array<i32>} : memref<16384xf32, #tpu.memory_space<vmem>>, vector<16xf32>,
        %parallel_loop3A_430 = arith.constant 2 : i32
        %parallel_loop3A_431 = arith.addi %parallel_loop3A_373, %parallel_loop3A_430 : i32
        %parallel_loop3A_432 = arith.constant 16 : i32
        %parallel_loop3A_433 = arith.muli %parallel_loop3A_431, %parallel_loop3A_432 : i32
        %parallel_loop3A_434 = arith.constant 0 : i32
        %parallel_loop3A_435 = arith.addi %parallel_loop3A_433, %parallel_loop3A_434 : i32
        %parallel_loop3A_436 = vector.broadcast %parallel_loop3A_435 : i32 to vector<16xi32>
        %parallel_loop3A_437 = arith.addi %iota3A_201, %parallel_loop3A_436 : vector<16xi32>
        %parallel_loop3A_438 = arith.cmpf ogt, %parallel_loop3A_429, %parallel_loop3A_378 : vector<16xf32>
        %parallel_loop3A_439 = arith.select %parallel_loop3A_438, %parallel_loop3A_429, %parallel_loop3A_378 : vector<16xi1>, vector<16xf32>
        %parallel_loop3A_440 = arith.select %parallel_loop3A_438, %parallel_loop3A_437, %parallel_loop3A_379 : vector<16xi1>, vector<16xi32>
        %parallel_loop3A_441 = arith.constant 3 : i32
        %parallel_loop3A_442 = arith.addi %parallel_loop3A_373, %parallel_loop3A_441 : i32
        %parallel_loop3A_443 = arith.constant 16 : i32
        %parallel_loop3A_444 = arith.muli %parallel_loop3A_442, %parallel_loop3A_443 : i32
        %parallel_loop3A_445 = arith.index_cast %parallel_loop3A_444 : i32 to index
        %parallel_loop3A_446 = tpu.vector_load %arg6[%parallel_loop3A_445] {strides = array<i32>} : memref<16384xf32, #tpu.memory_space<vmem>>, vector<16xf32>,
        %parallel_loop3A_447 = arith.constant 3 : i32
        %parallel_loop3A_448 = arith.addi %parallel_loop3A_373, %parallel_loop3A_447 : i32
        %parallel_loop3A_449 = arith.constant 16 : i32
        %parallel_loop3A_450 = arith.muli %parallel_loop3A_448, %parallel_loop3A_449 : i32
        %parallel_loop3A_451 = arith.constant 0 : i32
        %parallel_loop3A_452 = arith.addi %parallel_loop3A_450, %parallel_loop3A_451 : i32
        %parallel_loop3A_453 = vector.broadcast %parallel_loop3A_452 : i32 to vector<16xi32>
        %parallel_loop3A_454 = arith.addi %iota3A_201, %parallel_loop3A_453 : vector<16xi32>
        %parallel_loop3A_455 = arith.cmpf ogt, %parallel_loop3A_446, %parallel_loop3A_380 : vector<16xf32>
        %parallel_loop3A_456 = arith.select %parallel_loop3A_455, %parallel_loop3A_446, %parallel_loop3A_380 : vector<16xi1>, vector<16xf32>
        %parallel_loop3A_457 = arith.select %parallel_loop3A_455, %parallel_loop3A_454, %parallel_loop3A_381 : vector<16xi1>, vector<16xi32>
        %parallel_loop3A_458 = arith.constant 4 : i32
        %parallel_loop3A_459 = arith.addi %parallel_loop3A_373, %parallel_loop3A_458 : i32
        %parallel_loop3A_460 = arith.constant 16 : i32
        %parallel_loop3A_461 = arith.muli %parallel_loop3A_459, %parallel_loop3A_460 : i32
        %parallel_loop3A_462 = arith.index_cast %parallel_loop3A_461 : i32 to index
        %parallel_loop3A_463 = tpu.vector_load %arg6[%parallel_loop3A_462] {strides = array<i32>} : memref<16384xf32, #tpu.memory_space<vmem>>, vector<16xf32>,
        %parallel_loop3A_464 = arith.constant 4 : i32
        %parallel_loop3A_465 = arith.addi %parallel_loop3A_373, %parallel_loop3A_464 : i32
        %parallel_loop3A_466 = arith.constant 16 : i32
        %parallel_loop3A_467 = arith.muli %parallel_loop3A_465, %parallel_loop3A_466 : i32
        %parallel_loop3A_468 = arith.constant 0 : i32
        %parallel_loop3A_469 = arith.addi %parallel_loop3A_467, %parallel_loop3A_468 : i32
        %parallel_loop3A_470 = vector.broadcast %parallel_loop3A_469 : i32 to vector<16xi32>
        %parallel_loop3A_471 = arith.addi %iota3A_201, %parallel_loop3A_470 : vector<16xi32>
        %parallel_loop3A_472 = arith.cmpf ogt, %parallel_loop3A_463, %parallel_loop3A_382 : vector<16xf32>
        %parallel_loop3A_473 = arith.select %parallel_loop3A_472, %parallel_loop3A_463, %parallel_loop3A_382 : vector<16xi1>, vector<16xf32>
        %parallel_loop3A_474 = arith.select %parallel_loop3A_472, %parallel_loop3A_471, %parallel_loop3A_383 : vector<16xi1>, vector<16xi32>
        %parallel_loop3A_475 = arith.constant 5 : i32
        %parallel_loop3A_476 = arith.addi %parallel_loop3A_373, %parallel_loop3A_475 : i32
        %parallel_loop3A_477 = arith.constant 16 : i32
        %parallel_loop3A_478 = arith.muli %parallel_loop3A_476, %parallel_loop3A_477 : i32
        %parallel_loop3A_479 = arith.index_cast %parallel_loop3A_478 : i32 to index
        %parallel_loop3A_480 = tpu.vector_load %arg6[%parallel_loop3A_479] {strides = array<i32>} : memref<16384xf32, #tpu.memory_space<vmem>>, vector<16xf32>,
        %parallel_loop3A_481 = arith.constant 5 : i32
        %parallel_loop3A_482 = arith.addi %parallel_loop3A_373, %parallel_loop3A_481 : i32
        %parallel_loop3A_483 = arith.constant 16 : i32
        %parallel_loop3A_484 = arith.muli %parallel_loop3A_482, %parallel_loop3A_483 : i32
        %parallel_loop3A_485 = arith.constant 0 : i32
        %parallel_loop3A_486 = arith.addi %parallel_loop3A_484, %parallel_loop3A_485 : i32
        %parallel_loop3A_487 = vector.broadcast %parallel_loop3A_486 : i32 to vector<16xi32>
        %parallel_loop3A_488 = arith.addi %iota3A_201, %parallel_loop3A_487 : vector<16xi32>
        %parallel_loop3A_489 = arith.cmpf ogt, %parallel_loop3A_480, %parallel_loop3A_384 : vector<16xf32>
        %parallel_loop3A_490 = arith.select %parallel_loop3A_489, %parallel_loop3A_480, %parallel_loop3A_384 : vector<16xi1>, vector<16xf32>
        %parallel_loop3A_491 = arith.select %parallel_loop3A_489, %parallel_loop3A_488, %parallel_loop3A_385 : vector<16xi1>, vector<16xi32>
        %parallel_loop3A_492 = arith.constant 6 : i32
        %parallel_loop3A_493 = arith.addi %parallel_loop3A_373, %parallel_loop3A_492 : i32
        %parallel_loop3A_494 = arith.constant 16 : i32
        %parallel_loop3A_495 = arith.muli %parallel_loop3A_493, %parallel_loop3A_494 : i32
        %parallel_loop3A_496 = arith.index_cast %parallel_loop3A_495 : i32 to index
        %parallel_loop3A_497 = tpu.vector_load %arg6[%parallel_loop3A_496] {strides = array<i32>} : memref<16384xf32, #tpu.memory_space<vmem>>, vector<16xf32>,
        %parallel_loop3A_498 = arith.constant 6 : i32
        %parallel_loop3A_499 = arith.addi %parallel_loop3A_373, %parallel_loop3A_498 : i32
        %parallel_loop3A_500 = arith.constant 16 : i32
        %parallel_loop3A_501 = arith.muli %parallel_loop3A_499, %parallel_loop3A_500 : i32
        %parallel_loop3A_502 = arith.constant 0 : i32
        %parallel_loop3A_503 = arith.addi %parallel_loop3A_501, %parallel_loop3A_502 : i32
        %parallel_loop3A_504 = vector.broadcast %parallel_loop3A_503 : i32 to vector<16xi32>
        %parallel_loop3A_505 = arith.addi %iota3A_201, %parallel_loop3A_504 : vector<16xi32>
        %parallel_loop3A_506 = arith.cmpf ogt, %parallel_loop3A_497, %parallel_loop3A_386 : vector<16xf32>
        %parallel_loop3A_507 = arith.select %parallel_loop3A_506, %parallel_loop3A_497, %parallel_loop3A_386 : vector<16xi1>, vector<16xf32>
        %parallel_loop3A_508 = arith.select %parallel_loop3A_506, %parallel_loop3A_505, %parallel_loop3A_387 : vector<16xi1>, vector<16xi32>
        %parallel_loop3A_509 = arith.constant 7 : i32
        %parallel_loop3A_510 = arith.addi %parallel_loop3A_373, %parallel_loop3A_509 : i32
        %parallel_loop3A_511 = arith.constant 16 : i32
        %parallel_loop3A_512 = arith.muli %parallel_loop3A_510, %parallel_loop3A_511 : i32
        %parallel_loop3A_513 = arith.index_cast %parallel_loop3A_512 : i32 to index
        %parallel_loop3A_514 = tpu.vector_load %arg6[%parallel_loop3A_513] {strides = array<i32>} : memref<16384xf32, #tpu.memory_space<vmem>>, vector<16xf32>,
        %parallel_loop3A_515 = arith.constant 7 : i32
        %parallel_loop3A_516 = arith.addi %parallel_loop3A_373, %parallel_loop3A_515 : i32
        %parallel_loop3A_517 = arith.constant 16 : i32
        %parallel_loop3A_518 = arith.muli %parallel_loop3A_516, %parallel_loop3A_517 : i32
        %parallel_loop3A_519 = arith.constant 0 : i32
        %parallel_loop3A_520 = arith.addi %parallel_loop3A_518, %parallel_loop3A_519 : i32
        %parallel_loop3A_521 = vector.broadcast %parallel_loop3A_520 : i32 to vector<16xi32>
        %parallel_loop3A_522 = arith.addi %iota3A_201, %parallel_loop3A_521 : vector<16xi32>
        %parallel_loop3A_523 = arith.cmpf ogt, %parallel_loop3A_514, %parallel_loop3A_388 : vector<16xf32>
        %parallel_loop3A_524 = arith.select %parallel_loop3A_523, %parallel_loop3A_514, %parallel_loop3A_388 : vector<16xi1>, vector<16xf32>
        %parallel_loop3A_525 = arith.select %parallel_loop3A_523, %parallel_loop3A_522, %parallel_loop3A_389 : vector<16xi1>, vector<16xi32>
        scf.yield %parallel_loop3A_405, %parallel_loop3A_406, %parallel_loop3A_422, %parallel_loop3A_423, %parallel_loop3A_439, %parallel_loop3A_440, %parallel_loop3A_456, %parallel_loop3A_457, %parallel_loop3A_473, %parallel_loop3A_474, %parallel_loop3A_490, %parallel_loop3A_491, %parallel_loop3A_507, %parallel_loop3A_508, %parallel_loop3A_524, %parallel_loop3A_525 : vector<16xf32>, vector<16xi32>, vector<16xf32>, vector<16xi32>, vector<16xf32>, vector<16xi32>, vector<16xf32>, vector<16xi32>, vector<16xf32>, vector<16xi32>, vector<16xf32>, vector<16xi32>, vector<16xf32>, vector<16xi32>, vector<16xf32>, vector<16xi32>
      } {sc.loop_unroll_factor = 2 : i64, sc.parallel_access}
      %dma_wait3A_206 = arith.constant 0 : i32
      %dma_wait3A_207 = arith.constant 0 : i32
      %dma_wait3A_208 = tpu.memref_slice %arg2[%dma_wait3A_206, %dma_wait3A_207] : memref<2048x32768xf32, #tpu.memory_space<hbm>> -> memref<1x16384xf32, #tpu.memory_space<hbm>>
      %dma_wait3A_209 = tpu.memref_squeeze %dma_wait3A_208 : memref<1x16384xf32, #tpu.memory_space<hbm>> -> memref<16384xf32, #tpu.memory_space<hbm>>
      %dma_wait3A_210 = arith.constant 0 : i32
      %dma_wait3A_211 = tpu.memref_slice %arg2[%dma_wait3A_206, %dma_wait3A_210] : memref<2048x32768xf32, #tpu.memory_space<hbm>> -> memref<1x16384xf32, #tpu.memory_space<hbm>>
      %dma_wait3A_212 = tpu.memref_squeeze %dma_wait3A_211 : memref<1x16384xf32, #tpu.memory_space<hbm>> -> memref<16384xf32, #tpu.memory_space<hbm>>
      tpu.wait_dma2 semaphore(%arg12 : memref<!tpu.dma_semaphore, #tpu.memory_space<semaphore_mem>>) src(%dma_wait3A_212 : memref<16384xf32, #tpu.memory_space<hbm>>) dst(%arg7 : memref<16384xf32, #tpu.memory_space<vmem>>)
      %iota3A_213 = tpu.iota {dimensions = array<i32: 0>} : vector<16xi32>
      %parallel_loop3A_214 = arith.constant 0 : i32
      %parallel_loop3A_215 = arith.constant 1024 : i32
      %parallel_loop3A_216 = arith.constant 8 : i32
      %parallel_loop3A_217:16 = scf.for %parallel_loop3A_373 = %parallel_loop3A_214 to %parallel_loop3A_215 step %parallel_loop3A_216 iter_args(%parallel_loop3A_374 = %parallel_loop3A_205#0, %parallel_loop3A_375 = %parallel_loop3A_205#1, %parallel_loop3A_376 = %parallel_loop3A_205#2, %parallel_loop3A_377 = %parallel_loop3A_205#3, %parallel_loop3A_378 = %parallel_loop3A_205#4, %parallel_loop3A_379 = %parallel_loop3A_205#5, %parallel_loop3A_380 = %parallel_loop3A_205#6, %parallel_loop3A_381 = %parallel_loop3A_205#7, %parallel_loop3A_382 = %parallel_loop3A_205#8, %parallel_loop3A_383 = %parallel_loop3A_205#9, %parallel_loop3A_384 = %parallel_loop3A_205#10, %parallel_loop3A_385 = %parallel_loop3A_205#11, %parallel_loop3A_386 = %parallel_loop3A_205#12, %parallel_loop3A_387 = %parallel_loop3A_205#13, %parallel_loop3A_388 = %parallel_loop3A_205#14, %parallel_loop3A_389 = %parallel_loop3A_205#15) -> (vector<16xf32>, vector<16xi32>, vector<16xf32>, vector<16xi32>, vector<16xf32>, vector<16xi32>, vector<16xf32>, vector<16xi32>, vector<16xf32>, vector<16xi32>, vector<16xf32>, vector<16xi32>, vector<16xf32>, vector<16xi32>, vector<16xf32>, vector<16xi32>)  : i32 {
        %parallel_loop3A_390 = arith.constant 0 : i32
        %parallel_loop3A_391 = arith.addi %parallel_loop3A_373, %parallel_loop3A_390 : i32
        %parallel_loop3A_392 = arith.constant 16 : i32
        %parallel_loop3A_393 = arith.muli %parallel_loop3A_391, %parallel_loop3A_392 : i32
        %parallel_loop3A_394 = arith.index_cast %parallel_loop3A_393 : i32 to index
        %parallel_loop3A_395 = tpu.vector_load %arg7[%parallel_loop3A_394] {strides = array<i32>} : memref<16384xf32, #tpu.memory_space<vmem>>, vector<16xf32>,
        %parallel_loop3A_396 = arith.constant 0 : i32
        %parallel_loop3A_397 = arith.addi %parallel_loop3A_373, %parallel_loop3A_396 : i32
        %parallel_loop3A_398 = arith.constant 16 : i32
        %parallel_loop3A_399 = arith.muli %parallel_loop3A_397, %parallel_loop3A_398 : i32
        %parallel_loop3A_400 = arith.constant 16384 : i32
        %parallel_loop3A_401 = arith.addi %parallel_loop3A_399, %parallel_loop3A_400 : i32
        %parallel_loop3A_402 = vector.broadcast %parallel_loop3A_401 : i32 to vector<16xi32>
        %parallel_loop3A_403 = arith.addi %iota3A_213, %parallel_loop3A_402 : vector<16xi32>
        %parallel_loop3A_404 = arith.cmpf ogt, %parallel_loop3A_395, %parallel_loop3A_374 : vector<16xf32>
        %parallel_loop3A_405 = arith.select %parallel_loop3A_404, %parallel_loop3A_395, %parallel_loop3A_374 : vector<16xi1>, vector<16xf32>
        %parallel_loop3A_406 = arith.select %parallel_loop3A_404, %parallel_loop3A_403, %parallel_loop3A_375 : vector<16xi1>, vector<16xi32>
        %parallel_loop3A_407 = arith.constant 1 : i32
        %parallel_loop3A_408 = arith.addi %parallel_loop3A_373, %parallel_loop3A_407 : i32
        %parallel_loop3A_409 = arith.constant 16 : i32
        %parallel_loop3A_410 = arith.muli %parallel_loop3A_408, %parallel_loop3A_409 : i32
        %parallel_loop3A_411 = arith.index_cast %parallel_loop3A_410 : i32 to index
        %parallel_loop3A_412 = tpu.vector_load %arg7[%parallel_loop3A_411] {strides = array<i32>} : memref<16384xf32, #tpu.memory_space<vmem>>, vector<16xf32>,
        %parallel_loop3A_413 = arith.constant 1 : i32
        %parallel_loop3A_414 = arith.addi %parallel_loop3A_373, %parallel_loop3A_413 : i32
        %parallel_loop3A_415 = arith.constant 16 : i32
        %parallel_loop3A_416 = arith.muli %parallel_loop3A_414, %parallel_loop3A_415 : i32
        %parallel_loop3A_417 = arith.constant 16384 : i32
        %parallel_loop3A_418 = arith.addi %parallel_loop3A_416, %parallel_loop3A_417 : i32
        %parallel_loop3A_419 = vector.broadcast %parallel_loop3A_418 : i32 to vector<16xi32>
        %parallel_loop3A_420 = arith.addi %iota3A_213, %parallel_loop3A_419 : vector<16xi32>
        %parallel_loop3A_421 = arith.cmpf ogt, %parallel_loop3A_412, %parallel_loop3A_376 : vector<16xf32>
        %parallel_loop3A_422 = arith.select %parallel_loop3A_421, %parallel_loop3A_412, %parallel_loop3A_376 : vector<16xi1>, vector<16xf32>
        %parallel_loop3A_423 = arith.select %parallel_loop3A_421, %parallel_loop3A_420, %parallel_loop3A_377 : vector<16xi1>, vector<16xi32>
        %parallel_loop3A_424 = arith.constant 2 : i32
        %parallel_loop3A_425 = arith.addi %parallel_loop3A_373, %parallel_loop3A_424 : i32
        %parallel_loop3A_426 = arith.constant 16 : i32
        %parallel_loop3A_427 = arith.muli %parallel_loop3A_425, %parallel_loop3A_426 : i32
        %parallel_loop3A_428 = arith.index_cast %parallel_loop3A_427 : i32 to index
        %parallel_loop3A_429 = tpu.vector_load %arg7[%parallel_loop3A_428] {strides = array<i32>} : memref<16384xf32, #tpu.memory_space<vmem>>, vector<16xf32>,
        %parallel_loop3A_430 = arith.constant 2 : i32
        %parallel_loop3A_431 = arith.addi %parallel_loop3A_373, %parallel_loop3A_430 : i32
        %parallel_loop3A_432 = arith.constant 16 : i32
        %parallel_loop3A_433 = arith.muli %parallel_loop3A_431, %parallel_loop3A_432 : i32
        %parallel_loop3A_434 = arith.constant 16384 : i32
        %parallel_loop3A_435 = arith.addi %parallel_loop3A_433, %parallel_loop3A_434 : i32
        %parallel_loop3A_436 = vector.broadcast %parallel_loop3A_435 : i32 to vector<16xi32>
        %parallel_loop3A_437 = arith.addi %iota3A_213, %parallel_loop3A_436 : vector<16xi32>
        %parallel_loop3A_438 = arith.cmpf ogt, %parallel_loop3A_429, %parallel_loop3A_378 : vector<16xf32>
        %parallel_loop3A_439 = arith.select %parallel_loop3A_438, %parallel_loop3A_429, %parallel_loop3A_378 : vector<16xi1>, vector<16xf32>
        %parallel_loop3A_440 = arith.select %parallel_loop3A_438, %parallel_loop3A_437, %parallel_loop3A_379 : vector<16xi1>, vector<16xi32>
        %parallel_loop3A_441 = arith.constant 3 : i32
        %parallel_loop3A_442 = arith.addi %parallel_loop3A_373, %parallel_loop3A_441 : i32
        %parallel_loop3A_443 = arith.constant 16 : i32
        %parallel_loop3A_444 = arith.muli %parallel_loop3A_442, %parallel_loop3A_443 : i32
        %parallel_loop3A_445 = arith.index_cast %parallel_loop3A_444 : i32 to index
        %parallel_loop3A_446 = tpu.vector_load %arg7[%parallel_loop3A_445] {strides = array<i32>} : memref<16384xf32, #tpu.memory_space<vmem>>, vector<16xf32>,
        %parallel_loop3A_447 = arith.constant 3 : i32
        %parallel_loop3A_448 = arith.addi %parallel_loop3A_373, %parallel_loop3A_447 : i32
        %parallel_loop3A_449 = arith.constant 16 : i32
        %parallel_loop3A_450 = arith.muli %parallel_loop3A_448, %parallel_loop3A_449 : i32
        %parallel_loop3A_451 = arith.constant 16384 : i32
        %parallel_loop3A_452 = arith.addi %parallel_loop3A_450, %parallel_loop3A_451 : i32
        %parallel_loop3A_453 = vector.broadcast %parallel_loop3A_452 : i32 to vector<16xi32>
        %parallel_loop3A_454 = arith.addi %iota3A_213, %parallel_loop3A_453 : vector<16xi32>
        %parallel_loop3A_455 = arith.cmpf ogt, %parallel_loop3A_446, %parallel_loop3A_380 : vector<16xf32>
        %parallel_loop3A_456 = arith.select %parallel_loop3A_455, %parallel_loop3A_446, %parallel_loop3A_380 : vector<16xi1>, vector<16xf32>
        %parallel_loop3A_457 = arith.select %parallel_loop3A_455, %parallel_loop3A_454, %parallel_loop3A_381 : vector<16xi1>, vector<16xi32>
        %parallel_loop3A_458 = arith.constant 4 : i32
        %parallel_loop3A_459 = arith.addi %parallel_loop3A_373, %parallel_loop3A_458 : i32
        %parallel_loop3A_460 = arith.constant 16 : i32
        %parallel_loop3A_461 = arith.muli %parallel_loop3A_459, %parallel_loop3A_460 : i32
        %parallel_loop3A_462 = arith.index_cast %parallel_loop3A_461 : i32 to index
        %parallel_loop3A_463 = tpu.vector_load %arg7[%parallel_loop3A_462] {strides = array<i32>} : memref<16384xf32, #tpu.memory_space<vmem>>, vector<16xf32>,
        %parallel_loop3A_464 = arith.constant 4 : i32
        %parallel_loop3A_465 = arith.addi %parallel_loop3A_373, %parallel_loop3A_464 : i32
        %parallel_loop3A_466 = arith.constant 16 : i32
        %parallel_loop3A_467 = arith.muli %parallel_loop3A_465, %parallel_loop3A_466 : i32
        %parallel_loop3A_468 = arith.constant 16384 : i32
        %parallel_loop3A_469 = arith.addi %parallel_loop3A_467, %parallel_loop3A_468 : i32
        %parallel_loop3A_470 = vector.broadcast %parallel_loop3A_469 : i32 to vector<16xi32>
        %parallel_loop3A_471 = arith.addi %iota3A_213, %parallel_loop3A_470 : vector<16xi32>
        %parallel_loop3A_472 = arith.cmpf ogt, %parallel_loop3A_463, %parallel_loop3A_382 : vector<16xf32>
        %parallel_loop3A_473 = arith.select %parallel_loop3A_472, %parallel_loop3A_463, %parallel_loop3A_382 : vector<16xi1>, vector<16xf32>
        %parallel_loop3A_474 = arith.select %parallel_loop3A_472, %parallel_loop3A_471, %parallel_loop3A_383 : vector<16xi1>, vector<16xi32>
        %parallel_loop3A_475 = arith.constant 5 : i32
        %parallel_loop3A_476 = arith.addi %parallel_loop3A_373, %parallel_loop3A_475 : i32
        %parallel_loop3A_477 = arith.constant 16 : i32
        %parallel_loop3A_478 = arith.muli %parallel_loop3A_476, %parallel_loop3A_477 : i32
        %parallel_loop3A_479 = arith.index_cast %parallel_loop3A_478 : i32 to index
        %parallel_loop3A_480 = tpu.vector_load %arg7[%parallel_loop3A_479] {strides = array<i32>} : memref<16384xf32, #tpu.memory_space<vmem>>, vector<16xf32>,
        %parallel_loop3A_481 = arith.constant 5 : i32
        %parallel_loop3A_482 = arith.addi %parallel_loop3A_373, %parallel_loop3A_481 : i32
        %parallel_loop3A_483 = arith.constant 16 : i32
        %parallel_loop3A_484 = arith.muli %parallel_loop3A_482, %parallel_loop3A_483 : i32
        %parallel_loop3A_485 = arith.constant 16384 : i32
        %parallel_loop3A_486 = arith.addi %parallel_loop3A_484, %parallel_loop3A_485 : i32
        %parallel_loop3A_487 = vector.broadcast %parallel_loop3A_486 : i32 to vector<16xi32>
        %parallel_loop3A_488 = arith.addi %iota3A_213, %parallel_loop3A_487 : vector<16xi32>
        %parallel_loop3A_489 = arith.cmpf ogt, %parallel_loop3A_480, %parallel_loop3A_384 : vector<16xf32>
        %parallel_loop3A_490 = arith.select %parallel_loop3A_489, %parallel_loop3A_480, %parallel_loop3A_384 : vector<16xi1>, vector<16xf32>
        %parallel_loop3A_491 = arith.select %parallel_loop3A_489, %parallel_loop3A_488, %parallel_loop3A_385 : vector<16xi1>, vector<16xi32>
        %parallel_loop3A_492 = arith.constant 6 : i32
        %parallel_loop3A_493 = arith.addi %parallel_loop3A_373, %parallel_loop3A_492 : i32
        %parallel_loop3A_494 = arith.constant 16 : i32
        %parallel_loop3A_495 = arith.muli %parallel_loop3A_493, %parallel_loop3A_494 : i32
        %parallel_loop3A_496 = arith.index_cast %parallel_loop3A_495 : i32 to index
        %parallel_loop3A_497 = tpu.vector_load %arg7[%parallel_loop3A_496] {strides = array<i32>} : memref<16384xf32, #tpu.memory_space<vmem>>, vector<16xf32>,
        %parallel_loop3A_498 = arith.constant 6 : i32
        %parallel_loop3A_499 = arith.addi %parallel_loop3A_373, %parallel_loop3A_498 : i32
        %parallel_loop3A_500 = arith.constant 16 : i32
        %parallel_loop3A_501 = arith.muli %parallel_loop3A_499, %parallel_loop3A_500 : i32
        %parallel_loop3A_502 = arith.constant 16384 : i32
        %parallel_loop3A_503 = arith.addi %parallel_loop3A_501, %parallel_loop3A_502 : i32
        %parallel_loop3A_504 = vector.broadcast %parallel_loop3A_503 : i32 to vector<16xi32>
        %parallel_loop3A_505 = arith.addi %iota3A_213, %parallel_loop3A_504 : vector<16xi32>
        %parallel_loop3A_506 = arith.cmpf ogt, %parallel_loop3A_497, %parallel_loop3A_386 : vector<16xf32>
        %parallel_loop3A_507 = arith.select %parallel_loop3A_506, %parallel_loop3A_497, %parallel_loop3A_386 : vector<16xi1>, vector<16xf32>
        %parallel_loop3A_508 = arith.select %parallel_loop3A_506, %parallel_loop3A_505, %parallel_loop3A_387 : vector<16xi1>, vector<16xi32>
        %parallel_loop3A_509 = arith.constant 7 : i32
        %parallel_loop3A_510 = arith.addi %parallel_loop3A_373, %parallel_loop3A_509 : i32
        %parallel_loop3A_511 = arith.constant 16 : i32
        %parallel_loop3A_512 = arith.muli %parallel_loop3A_510, %parallel_loop3A_511 : i32
        %parallel_loop3A_513 = arith.index_cast %parallel_loop3A_512 : i32 to index
        %parallel_loop3A_514 = tpu.vector_load %arg7[%parallel_loop3A_513] {strides = array<i32>} : memref<16384xf32, #tpu.memory_space<vmem>>, vector<16xf32>,
        %parallel_loop3A_515 = arith.constant 7 : i32
        %parallel_loop3A_516 = arith.addi %parallel_loop3A_373, %parallel_loop3A_515 : i32
        %parallel_loop3A_517 = arith.constant 16 : i32
        %parallel_loop3A_518 = arith.muli %parallel_loop3A_516, %parallel_loop3A_517 : i32
        %parallel_loop3A_519 = arith.constant 16384 : i32
        %parallel_loop3A_520 = arith.addi %parallel_loop3A_518, %parallel_loop3A_519 : i32
        %parallel_loop3A_521 = vector.broadcast %parallel_loop3A_520 : i32 to vector<16xi32>
        %parallel_loop3A_522 = arith.addi %iota3A_213, %parallel_loop3A_521 : vector<16xi32>
        %parallel_loop3A_523 = arith.cmpf ogt, %parallel_loop3A_514, %parallel_loop3A_388 : vector<16xf32>
        %parallel_loop3A_524 = arith.select %parallel_loop3A_523, %parallel_loop3A_514, %parallel_loop3A_388 : vector<16xi1>, vector<16xf32>
        %parallel_loop3A_525 = arith.select %parallel_loop3A_523, %parallel_loop3A_522, %parallel_loop3A_389 : vector<16xi1>, vector<16xi32>
        scf.yield %parallel_loop3A_405, %parallel_loop3A_406, %parallel_loop3A_422, %parallel_loop3A_423, %parallel_loop3A_439, %parallel_loop3A_440, %parallel_loop3A_456, %parallel_loop3A_457, %parallel_loop3A_473, %parallel_loop3A_474, %parallel_loop3A_490, %parallel_loop3A_491, %parallel_loop3A_507, %parallel_loop3A_508, %parallel_loop3A_524, %parallel_loop3A_525 : vector<16xf32>, vector<16xi32>, vector<16xf32>, vector<16xi32>, vector<16xf32>, vector<16xi32>, vector<16xf32>, vector<16xi32>, vector<16xf32>, vector<16xi32>, vector<16xf32>, vector<16xi32>, vector<16xf32>, vector<16xi32>, vector<16xf32>, vector<16xi32>
      } {sc.loop_unroll_factor = 2 : i64, sc.parallel_access}
      %gt3A_218 = arith.cmpf ogt, %parallel_loop3A_217#2, %parallel_loop3A_217#0 : vector<16xf32>
      %eq3A_219 = arith.cmpf oeq, %parallel_loop3A_217#2, %parallel_loop3A_217#0 : vector<16xf32>
      %lt3A_220 = arith.cmpi slt, %parallel_loop3A_217#3, %parallel_loop3A_217#1 : vector<16xi32>
      %and3A_221 = arith.andi %eq3A_219, %lt3A_220 : vector<16xi1>
      %or3A_222 = arith.ori %gt3A_218, %and3A_221 : vector<16xi1>
      %select_n3A_223 = arith.select %or3A_222, %parallel_loop3A_217#2, %parallel_loop3A_217#0 : vector<16xi1>, vector<16xf32>
      %select_n3A_224 = arith.select %or3A_222, %parallel_loop3A_217#3, %parallel_loop3A_217#1 : vector<16xi1>, vector<16xi32>
      %gt3A_225 = arith.cmpf ogt, %parallel_loop3A_217#4, %select_n3A_223 : vector<16xf32>
      %eq3A_226 = arith.cmpf oeq, %parallel_loop3A_217#4, %select_n3A_223 : vector<16xf32>
      %lt3A_227 = arith.cmpi slt, %parallel_loop3A_217#5, %select_n3A_224 : vector<16xi32>
      %and3A_228 = arith.andi %eq3A_226, %lt3A_227 : vector<16xi1>
      %or3A_229 = arith.ori %gt3A_225, %and3A_228 : vector<16xi1>
      %select_n3A_230 = arith.select %or3A_229, %parallel_loop3A_217#4, %select_n3A_223 : vector<16xi1>, vector<16xf32>
      %select_n3A_231 = arith.select %or3A_229, %parallel_loop3A_217#5, %select_n3A_224 : vector<16xi1>, vector<16xi32>
      %gt3A_232 = arith.cmpf ogt, %parallel_loop3A_217#6, %select_n3A_230 : vector<16xf32>
      %eq3A_233 = arith.cmpf oeq, %parallel_loop3A_217#6, %select_n3A_230 : vector<16xf32>
      %lt3A_234 = arith.cmpi slt, %parallel_loop3A_217#7, %select_n3A_231 : vector<16xi32>
      %and3A_235 = arith.andi %eq3A_233, %lt3A_234 : vector<16xi1>
      %or3A_236 = arith.ori %gt3A_232, %and3A_235 : vector<16xi1>
      %select_n3A_237 = arith.select %or3A_236, %parallel_loop3A_217#6, %select_n3A_230 : vector<16xi1>, vector<16xf32>
      %select_n3A_238 = arith.select %or3A_236, %parallel_loop3A_217#7, %select_n3A_231 : vector<16xi1>, vector<16xi32>
      %gt3A_239 = arith.cmpf ogt, %parallel_loop3A_217#8, %select_n3A_237 : vector<16xf32>
      %eq3A_240 = arith.cmpf oeq, %parallel_loop3A_217#8, %select_n3A_237 : vector<16xf32>
      %lt3A_241 = arith.cmpi slt, %parallel_loop3A_217#9, %select_n3A_238 : vector<16xi32>
      %and3A_242 = arith.andi %eq3A_240, %lt3A_241 : vector<16xi1>
      %or3A_243 = arith.ori %gt3A_239, %and3A_242 : vector<16xi1>
      %select_n3A_244 = arith.select %or3A_243, %parallel_loop3A_217#8, %select_n3A_237 : vector<16xi1>, vector<16xf32>
      %select_n3A_245 = arith.select %or3A_243, %parallel_loop3A_217#9, %select_n3A_238 : vector<16xi1>, vector<16xi32>
      %gt3A_246 = arith.cmpf ogt, %parallel_loop3A_217#10, %select_n3A_244 : vector<16xf32>
      %eq3A_247 = arith.cmpf oeq, %parallel_loop3A_217#10, %select_n3A_244 : vector<16xf32>
      %lt3A_248 = arith.cmpi slt, %parallel_loop3A_217#11, %select_n3A_245 : vector<16xi32>
      %and3A_249 = arith.andi %eq3A_247, %lt3A_248 : vector<16xi1>
      %or3A_250 = arith.ori %gt3A_246, %and3A_249 : vector<16xi1>
      %select_n3A_251 = arith.select %or3A_250, %parallel_loop3A_217#10, %select_n3A_244 : vector<16xi1>, vector<16xf32>
      %select_n3A_252 = arith.select %or3A_250, %parallel_loop3A_217#11, %select_n3A_245 : vector<16xi1>, vector<16xi32>
      %gt3A_253 = arith.cmpf ogt, %parallel_loop3A_217#12, %select_n3A_251 : vector<16xf32>
      %eq3A_254 = arith.cmpf oeq, %parallel_loop3A_217#12, %select_n3A_251 : vector<16xf32>
      %lt3A_255 = arith.cmpi slt, %parallel_loop3A_217#13, %select_n3A_252 : vector<16xi32>
      %and3A_256 = arith.andi %eq3A_254, %lt3A_255 : vector<16xi1>
      %or3A_257 = arith.ori %gt3A_253, %and3A_256 : vector<16xi1>
      %select_n3A_258 = arith.select %or3A_257, %parallel_loop3A_217#12, %select_n3A_251 : vector<16xi1>, vector<16xf32>
      %select_n3A_259 = arith.select %or3A_257, %parallel_loop3A_217#13, %select_n3A_252 : vector<16xi1>, vector<16xi32>
      %gt3A_260 = arith.cmpf ogt, %parallel_loop3A_217#14, %select_n3A_258 : vector<16xf32>
      %eq3A_261 = arith.cmpf oeq, %parallel_loop3A_217#14, %select_n3A_258 : vector<16xf32>
      %lt3A_262 = arith.cmpi slt, %parallel_loop3A_217#15, %select_n3A_259 : vector<16xi32>
      %and3A_263 = arith.andi %eq3A_261, %lt3A_262 : vector<16xi1>
      %or3A_264 = arith.ori %gt3A_260, %and3A_263 : vector<16xi1>
      %select_n3A_265 = arith.select %or3A_264, %parallel_loop3A_217#14, %select_n3A_258 : vector<16xi1>, vector<16xf32>
      %select_n3A_266 = arith.select %or3A_264, %parallel_loop3A_217#15, %select_n3A_259 : vector<16xi1>, vector<16xi32>
      %reduce_max3A_267 = arith.constant true
      %reduce_max3A_268 = vector.broadcast %reduce_max3A_267 : i1 to vector<16xi1>
      %reduce_max3A_269 = tpu.scan <max>, %select_n3A_265 masked %reduce_max3A_268 : vector<16xf32>, vector<16xi1> -> vector<16xf32>
      %reduce_max3A_270 = vector.extract %reduce_max3A_269[15] : f32 from vector<16xf32>
      %eq3A_271 = vector.broadcast %reduce_max3A_270 : f32 to vector<16xf32>
      %eq3A_272 = arith.cmpf oeq, %select_n3A_265, %eq3A_271 : vector<16xf32>
      %jit3A_273 = arith.constant 32768 : i32
      %broadcast_in_dim3A_274 = vector.broadcast %jit3A_273 : i32 to vector<16xi32>
      %select_n3A_275 = arith.select %eq3A_272, %select_n3A_266, %broadcast_in_dim3A_274 : vector<16xi1>, vector<16xi32>
      %reduce_min3A_276 = arith.constant true
      %reduce_min3A_277 = vector.broadcast %reduce_min3A_276 : i1 to vector<16xi1>
      %reduce_min3A_278 = arith.constant -2147483648 : i32
      %reduce_min3A_279 = vector.broadcast %reduce_min3A_278 : i32 to vector<16xi32>
      %reduce_min3A_280 = arith.xori %select_n3A_275, %reduce_min3A_279 : vector<16xi32>
      %reduce_min3A_281 = tpu.scan <min>, %reduce_min3A_280 masked %reduce_min3A_277 : vector<16xi32>, vector<16xi1> -> vector<16xi32>
      %reduce_min3A_282 = arith.xori %reduce_min3A_281, %reduce_min3A_279 : vector<16xi32>
      %reduce_min3A_283 = vector.extract %reduce_min3A_282[15] : i32 from vector<16xi32>
      %mul3A_284 = arith.constant 2 : i32
      %mul3A_285 = arith.muli %mul3A_284, %scan3A_77 : i32
      %add3A_286 = arith.addi %add3A_4, %mul3A_285 : i32
      %add3A_287 = arith.constant 3 : i32
      %add3A_288 = arith.addi %add3A_286, %add3A_287 : i32
      %min3A_289 = arith.constant 2047 : i32
      %min3A_290 = arith.minsi %add3A_288, %min3A_289 : i32
      %dma_start3A_291 = arith.constant 0 : i32
      %dma_start3A_292 = tpu.memref_slice %arg2[%min3A_290, %dma_start3A_291] : memref<2048x32768xf32, #tpu.memory_space<hbm>> -> memref<1x16384xf32, #tpu.memory_space<hbm>>
      %dma_start3A_293 = tpu.memref_squeeze %dma_start3A_292 : memref<1x16384xf32, #tpu.memory_space<hbm>> -> memref<16384xf32, #tpu.memory_space<hbm>>
      %dma_start3A_294 = arith.constant 0 : i32
      %dma_start3A_295 = tpu.memref_slice %arg2[%min3A_290, %dma_start3A_294] : memref<2048x32768xf32, #tpu.memory_space<hbm>> -> memref<1x16384xf32, #tpu.memory_space<hbm>>
      %dma_start3A_296 = tpu.memref_squeeze %dma_start3A_295 : memref<1x16384xf32, #tpu.memory_space<hbm>> -> memref<16384xf32, #tpu.memory_space<hbm>>
      tpu.enqueue_dma source(%dma_start3A_296 : memref<16384xf32, #tpu.memory_space<hbm>>) target(%arg6 : memref<16384xf32, #tpu.memory_space<vmem>>) target_semaphore(%arg11 : memref<!tpu.dma_semaphore, #tpu.memory_space<semaphore_mem>>)
      %mul3A_297 = arith.constant 2 : i32
      %mul3A_298 = arith.muli %mul3A_297, %scan3A_77 : i32
      %add3A_299 = arith.addi %add3A_4, %mul3A_298 : i32
      %add3A_300 = arith.constant 3 : i32
      %add3A_301 = arith.addi %add3A_299, %add3A_300 : i32
      %min3A_302 = arith.constant 2047 : i32
      %min3A_303 = arith.minsi %add3A_301, %min3A_302 : i32
      %dma_start3A_304 = arith.constant 16384 : i32
      %dma_start3A_305 = tpu.memref_slice %arg2[%min3A_303, %dma_start3A_304] : memref<2048x32768xf32, #tpu.memory_space<hbm>> -> memref<1x16384xf32, #tpu.memory_space<hbm>>
      %dma_start3A_306 = tpu.memref_squeeze %dma_start3A_305 : memref<1x16384xf32, #tpu.memory_space<hbm>> -> memref<16384xf32, #tpu.memory_space<hbm>>
      %dma_start3A_307 = arith.constant 16384 : i32
      %dma_start3A_308 = tpu.memref_slice %arg2[%min3A_303, %dma_start3A_307] : memref<2048x32768xf32, #tpu.memory_space<hbm>> -> memref<1x16384xf32, #tpu.memory_space<hbm>>
      %dma_start3A_309 = tpu.memref_squeeze %dma_start3A_308 : memref<1x16384xf32, #tpu.memory_space<hbm>> -> memref<16384xf32, #tpu.memory_space<hbm>>
      tpu.enqueue_dma source(%dma_start3A_309 : memref<16384xf32, #tpu.memory_space<hbm>>) target(%arg7 : memref<16384xf32, #tpu.memory_space<vmem>>) target_semaphore(%arg12 : memref<!tpu.dma_semaphore, #tpu.memory_space<semaphore_mem>>)
      %mul3A_310 = arith.constant 2 : i32
      %mul3A_311 = arith.muli %mul3A_310, %scan3A_77 : i32
      %jit3A_312 = arith.constant 16 : i32
      %eq3A_313 = arith.constant 0 : i32
      %eq3A_314 = arith.cmpi eq, %jit3A_312, %eq3A_313 : i32
      %jit3A_315 = arith.constant 1 : i32
      %select_n3A_316 = arith.select %eq3A_314, %jit3A_315, %jit3A_312 : i32
      %rem3A = arith.remsi %mul3A_311, %select_n3A_316 : i32
      %ne3A = arith.constant 0 : i32
      %ne3A_317 = arith.cmpi ne, %rem3A, %ne3A : i32
      %lt3A_318 = arith.constant 0 : i32
      %lt3A_319 = arith.cmpi slt, %rem3A, %lt3A_318 : i32
      %lt3A_320 = arith.constant 0 : i32
      %lt3A_321 = arith.cmpi slt, %select_n3A_316, %lt3A_320 : i32
      %ne3A_322 = arith.xori %lt3A_319, %lt3A_321 : i1
      %and3A_323 = arith.andi %ne3A_322, %ne3A_317 : i1
      %add3A_324 = arith.addi %rem3A, %select_n3A_316 : i32
      %select_n3A_325 = arith.select %and3A_323, %add3A_324, %rem3A : i32
      %eq3A_326 = vector.broadcast %select_n3A_325 : i32 to vector<16xi32>
      %eq3A_327 = arith.cmpi eq, %iota3A, %eq3A_326 : vector<16xi32>
      %lt3A_328 = arith.constant 16 : i32
      %lt3A_329 = arith.cmpi slt, %mul3A_311, %lt3A_328 : i32
      %and3A_330 = vector.broadcast %lt3A_329 : i1 to vector<16xi1>
      %and3A_331 = arith.andi %and3A_330, %eq3A_327 : vector<16xi1>
      %broadcast_in_dim3A_332 = vector.broadcast %reduce_min3A_163 : i32 to vector<16xi32>
      %select_n3A_333 = arith.select %and3A_331, %broadcast_in_dim3A_332, %scan3A_78 : vector<16xi1>, vector<16xi32>
      %ge3A = arith.constant 16 : i32
      %ge3A_334 = arith.cmpi sge, %mul3A_311, %ge3A : i32
      %and3A_335 = vector.broadcast %ge3A_334 : i1 to vector<16xi1>
      %and3A_336 = arith.andi %and3A_335, %eq3A_327 : vector<16xi1>
      %broadcast_in_dim3A_337 = vector.broadcast %reduce_min3A_163 : i32 to vector<16xi32>
      %select_n3A_338 = arith.select %and3A_336, %broadcast_in_dim3A_337, %scan3A_79 : vector<16xi1>, vector<16xi32>
      %mul3A_339 = arith.constant 2 : i32
      %mul3A_340 = arith.muli %mul3A_339, %scan3A_77 : i32
      %add3A_341 = arith.constant 1 : i32
      %add3A_342 = arith.addi %mul3A_340, %add3A_341 : i32
      %jit3A_343 = arith.constant 16 : i32
      %eq3A_344 = arith.constant 0 : i32
      %eq3A_345 = arith.cmpi eq, %jit3A_343, %eq3A_344 : i32
      %jit3A_346 = arith.constant 1 : i32
      %select_n3A_347 = arith.select %eq3A_345, %jit3A_346, %jit3A_343 : i32
      %rem3A_348 = arith.remsi %add3A_342, %select_n3A_347 : i32
      %ne3A_349 = arith.constant 0 : i32
      %ne3A_350 = arith.cmpi ne, %rem3A_348, %ne3A_349 : i32
      %lt3A_351 = arith.constant 0 : i32
      %lt3A_352 = arith.cmpi slt, %rem3A_348, %lt3A_351 : i32
      %lt3A_353 = arith.constant 0 : i32
      %lt3A_354 = arith.cmpi slt, %select_n3A_347, %lt3A_353 : i32
      %ne3A_355 = arith.xori %lt3A_352, %lt3A_354 : i1
      %and3A_356 = arith.andi %ne3A_355, %ne3A_350 : i1
      %add3A_357 = arith.addi %rem3A_348, %select_n3A_347 : i32
      %select_n3A_358 = arith.select %and3A_356, %add3A_357, %rem3A_348 : i32
      %eq3A_359 = vector.broadcast %select_n3A_358 : i32 to vector<16xi32>
      %eq3A_360 = arith.cmpi eq, %iota3A, %eq3A_359 : vector<16xi32>
      %lt3A_361 = arith.constant 16 : i32
      %lt3A_362 = arith.cmpi slt, %add3A_342, %lt3A_361 : i32
      %and3A_363 = vector.broadcast %lt3A_362 : i1 to vector<16xi1>
      %and3A_364 = arith.andi %and3A_363, %eq3A_360 : vector<16xi1>
      %broadcast_in_dim3A_365 = vector.broadcast %reduce_min3A_283 : i32 to vector<16xi32>
      %select_n3A_366 = arith.select %and3A_364, %broadcast_in_dim3A_365, %select_n3A_333 : vector<16xi1>, vector<16xi32>
      %ge3A_367 = arith.constant 16 : i32
      %ge3A_368 = arith.cmpi sge, %add3A_342, %ge3A_367 : i32
      %and3A_369 = vector.broadcast %ge3A_368 : i1 to vector<16xi1>
      %and3A_370 = arith.andi %and3A_369, %eq3A_360 : vector<16xi1>
      %broadcast_in_dim3A_371 = vector.broadcast %reduce_min3A_283 : i32 to vector<16xi32>
      %select_n3A_372 = arith.select %and3A_370, %broadcast_in_dim3A_371, %select_n3A_338 : vector<16xi1>, vector<16xi32>
      scf.yield %select_n3A_366, %select_n3A_372 : vector<16xi32>, vector<16xi32>
    }
    %scan3A_44 = arith.constant 12 : i32
    %swap3A = arith.constant 0 : index
    %swap3A_45 = tpu.vector_load %arg8[%swap3A] {strides = array<i32>} : memref<32xi32, #tpu.memory_space<vmem>>, vector<16xi32>,
    tpu.vector_store %arg8[%swap3A], %scan3A_43#0 {strides = array<i32>} : memref<32xi32, #tpu.memory_space<vmem>>, vector<16xi32>,
    %swap3A_46 = arith.constant 16 : index
    %swap3A_47 = tpu.vector_load %arg8[%swap3A_46] {strides = array<i32>} : memref<32xi32, #tpu.memory_space<vmem>>, vector<16xi32>,
    tpu.vector_store %arg8[%swap3A_46], %scan3A_43#1 {strides = array<i32>} : memref<32xi32, #tpu.memory_space<vmem>>, vector<16xi32>,
    %dma_wait3A = arith.constant 0 : i32
    %dma_wait3A_48 = arith.constant 0 : i32
    %dma_wait3A_49 = tpu.memref_slice %arg2[%dma_wait3A, %dma_wait3A_48] : memref<2048x32768xf32, #tpu.memory_space<hbm>> -> memref<1x16384xf32, #tpu.memory_space<hbm>>
    %dma_wait3A_50 = tpu.memref_squeeze %dma_wait3A_49 : memref<1x16384xf32, #tpu.memory_space<hbm>> -> memref<16384xf32, #tpu.memory_space<hbm>>
    %dma_wait3A_51 = arith.constant 0 : i32
    %dma_wait3A_52 = tpu.memref_slice %arg2[%dma_wait3A, %dma_wait3A_51] : memref<2048x32768xf32, #tpu.memory_space<hbm>> -> memref<1x16384xf32, #tpu.memory_space<hbm>>
    %dma_wait3A_53 = tpu.memref_squeeze %dma_wait3A_52 : memref<1x16384xf32, #tpu.memory_space<hbm>> -> memref<16384xf32, #tpu.memory_space<hbm>>
    tpu.wait_dma2 semaphore(%arg9 : memref<!tpu.dma_semaphore, #tpu.memory_space<semaphore_mem>>) src(%dma_wait3A_53 : memref<16384xf32, #tpu.memory_space<hbm>>) dst(%arg4 : memref<16384xf32, #tpu.memory_space<vmem>>)
    %dma_wait3A_54 = arith.constant 0 : i32
    %dma_wait3A_55 = arith.constant 0 : i32
    %dma_wait3A_56 = tpu.memref_slice %arg2[%dma_wait3A_54, %dma_wait3A_55] : memref<2048x32768xf32, #tpu.memory_space<hbm>> -> memref<1x16384xf32, #tpu.memory_space<hbm>>
    %dma_wait3A_57 = tpu.memref_squeeze %dma_wait3A_56 : memref<1x16384xf32, #tpu.memory_space<hbm>> -> memref<16384xf32, #tpu.memory_space<hbm>>
    %dma_wait3A_58 = arith.constant 0 : i32
    %dma_wait3A_59 = tpu.memref_slice %arg2[%dma_wait3A_54, %dma_wait3A_58] : memref<2048x32768xf32, #tpu.memory_space<hbm>> -> memref<1x16384xf32, #tpu.memory_space<hbm>>
    %dma_wait3A_60 = tpu.memref_squeeze %dma_wait3A_59 : memref<1x16384xf32, #tpu.memory_space<hbm>> -> memref<16384xf32, #tpu.memory_space<hbm>>
    tpu.wait_dma2 semaphore(%arg10 : memref<!tpu.dma_semaphore, #tpu.memory_space<semaphore_mem>>) src(%dma_wait3A_60 : memref<16384xf32, #tpu.memory_space<hbm>>) dst(%arg5 : memref<16384xf32, #tpu.memory_space<vmem>>)
    %dma_wait3A_61 = arith.constant 0 : i32
    %dma_wait3A_62 = arith.constant 0 : i32
    %dma_wait3A_63 = tpu.memref_slice %arg2[%dma_wait3A_61, %dma_wait3A_62] : memref<2048x32768xf32, #tpu.memory_space<hbm>> -> memref<1x16384xf32, #tpu.memory_space<hbm>>
    %dma_wait3A_64 = tpu.memref_squeeze %dma_wait3A_63 : memref<1x16384xf32, #tpu.memory_space<hbm>> -> memref<16384xf32, #tpu.memory_space<hbm>>
    %dma_wait3A_65 = arith.constant 0 : i32
    %dma_wait3A_66 = tpu.memref_slice %arg2[%dma_wait3A_61, %dma_wait3A_65] : memref<2048x32768xf32, #tpu.memory_space<hbm>> -> memref<1x16384xf32, #tpu.memory_space<hbm>>
    %dma_wait3A_67 = tpu.memref_squeeze %dma_wait3A_66 : memref<1x16384xf32, #tpu.memory_space<hbm>> -> memref<16384xf32, #tpu.memory_space<hbm>>
    tpu.wait_dma2 semaphore(%arg11 : memref<!tpu.dma_semaphore, #tpu.memory_space<semaphore_mem>>) src(%dma_wait3A_67 : memref<16384xf32, #tpu.memory_space<hbm>>) dst(%arg6 : memref<16384xf32, #tpu.memory_space<vmem>>)
    %dma_wait3A_68 = arith.constant 0 : i32
    %dma_wait3A_69 = arith.constant 0 : i32
    %dma_wait3A_70 = tpu.memref_slice %arg2[%dma_wait3A_68, %dma_wait3A_69] : memref<2048x32768xf32, #tpu.memory_space<hbm>> -> memref<1x16384xf32, #tpu.memory_space<hbm>>
    %dma_wait3A_71 = tpu.memref_squeeze %dma_wait3A_70 : memref<1x16384xf32, #tpu.memory_space<hbm>> -> memref<16384xf32, #tpu.memory_space<hbm>>
    %dma_wait3A_72 = arith.constant 0 : i32
    %dma_wait3A_73 = tpu.memref_slice %arg2[%dma_wait3A_68, %dma_wait3A_72] : memref<2048x32768xf32, #tpu.memory_space<hbm>> -> memref<1x16384xf32, #tpu.memory_space<hbm>>
    %dma_wait3A_74 = tpu.memref_squeeze %dma_wait3A_73 : memref<1x16384xf32, #tpu.memory_space<hbm>> -> memref<16384xf32, #tpu.memory_space<hbm>>
    tpu.wait_dma2 semaphore(%arg12 : memref<!tpu.dma_semaphore, #tpu.memory_space<semaphore_mem>>) src(%dma_wait3A_74 : memref<16384xf32, #tpu.memory_space<hbm>>) dst(%arg7 : memref<16384xf32, #tpu.memory_space<vmem>>)
    %mul3A_75 = arith.constant 32 : i32
    %mul3A_76 = arith.muli %add3A, %mul3A_75 : i32
    "tpu.region"() ({
      %run_scoped3A = tpu.sem_alloc : memref<!tpu.dma_semaphore, #tpu.memory_space<semaphore_mem>>
      %dma_start3A_77 = tpu.memref_slice %arg3[%mul3A_76] : memref<1024xi32, #tpu.memory_space<hbm>> -> memref<32xi32, #tpu.memory_space<hbm>>
      %dma_start3A_78 = tpu.memref_slice %arg3[%mul3A_76] : memref<1024xi32, #tpu.memory_space<hbm>> -> memref<32xi32, #tpu.memory_space<hbm>>
      tpu.enqueue_dma source(%arg8 : memref<32xi32, #tpu.memory_space<vmem>>) target(%dma_start3A_78 : memref<32xi32, #tpu.memory_space<hbm>>) target_semaphore(%run_scoped3A : memref<!tpu.dma_semaphore, #tpu.memory_space<semaphore_mem>>)
      %dma_wait3A_79 = tpu.memref_slice %arg3[%mul3A_76] : memref<1024xi32, #tpu.memory_space<hbm>> -> memref<32xi32, #tpu.memory_space<hbm>>
      %dma_wait3A_80 = tpu.memref_slice %arg3[%mul3A_76] : memref<1024xi32, #tpu.memory_space<hbm>> -> memref<32xi32, #tpu.memory_space<hbm>>
      tpu.wait_dma2 semaphore(%run_scoped3A : memref<!tpu.dma_semaphore, #tpu.memory_space<semaphore_mem>>) src(%arg8 : memref<32xi32, #tpu.memory_space<vmem>>) dst(%dma_wait3A_80 : memref<32xi32, #tpu.memory_space<hbm>>)
      tpu.yield
    }) : () -> ()
    return
  }
}

module attributes {stable_mosaic.version = 14 : i64} {
  func.func @_tc_body(%arg0: i32, %arg1: memref<64x32768xf32, #tpu.memory_space<vmem>>, %arg2: memref<1x1x64xi32, #tpu.memory_space<vmem>>) attributes {dimension_semantics = [#tpu.dimension_semantics<arbitrary>], iteration_bounds = array<i64: 20>, scalar_prefetch = 0 : i64, scratch_operands = 0 : i64, tpu.core_type = #tpu.core_type<tc>, window_params = [{transform_indices = @transform_0, window_bounds = array<i64: 64, 32768>}, {transform_indices = @transform_1, window_bounds = array<i64: 1, 1, 64>}]} {
    %get3A = arith.constant 0 : index
    %get3A_0 = arith.constant 0 : index
    %get3A_1 = vector.load %arg1[%get3A, %get3A_0] : memref<64x32768xf32, #tpu.memory_space<vmem>>, vector<64x32768xf32>
    %slice3A = vector.extract_strided_slice %get3A_1 {offsets = [0, 0], sizes = [64, 512], strides = [1, 1]} : vector<64x32768xf32> to vector<64x512xf32>
    %broadcast_in_dim3A = arith.constant 0 : i32
    %broadcast_in_dim3A_2 = vector.broadcast %broadcast_in_dim3A : i32 to vector<64x512xi32>
    %slice3A_3 = vector.extract_strided_slice %get3A_1 {offsets = [0, 512], sizes = [64, 512], strides = [1, 1]} : vector<64x32768xf32> to vector<64x512xf32>
    %gt3A = arith.cmpf ogt, %slice3A_3, %slice3A : vector<64x512xf32>
    %select_n3A = arith.select %gt3A, %slice3A_3, %slice3A : vector<64x512xi1>, vector<64x512xf32>
    %jit3A = arith.constant 1 : i32
    %broadcast_in_dim3A_4 = vector.broadcast %jit3A : i32 to vector<64x512xi32>
    %select_n3A_5 = arith.select %gt3A, %broadcast_in_dim3A_4, %broadcast_in_dim3A_2 : vector<64x512xi1>, vector<64x512xi32>
    %slice3A_6 = vector.extract_strided_slice %get3A_1 {offsets = [0, 1024], sizes = [64, 512], strides = [1, 1]} : vector<64x32768xf32> to vector<64x512xf32>
    %gt3A_7 = arith.cmpf ogt, %slice3A_6, %select_n3A : vector<64x512xf32>
    %select_n3A_8 = arith.select %gt3A_7, %slice3A_6, %select_n3A : vector<64x512xi1>, vector<64x512xf32>
    %jit3A_9 = arith.constant 2 : i32
    %broadcast_in_dim3A_10 = vector.broadcast %jit3A_9 : i32 to vector<64x512xi32>
    %select_n3A_11 = arith.select %gt3A_7, %broadcast_in_dim3A_10, %select_n3A_5 : vector<64x512xi1>, vector<64x512xi32>
    %slice3A_12 = vector.extract_strided_slice %get3A_1 {offsets = [0, 1536], sizes = [64, 512], strides = [1, 1]} : vector<64x32768xf32> to vector<64x512xf32>
    %gt3A_13 = arith.cmpf ogt, %slice3A_12, %select_n3A_8 : vector<64x512xf32>
    %select_n3A_14 = arith.select %gt3A_13, %slice3A_12, %select_n3A_8 : vector<64x512xi1>, vector<64x512xf32>
    %jit3A_15 = arith.constant 3 : i32
    %broadcast_in_dim3A_16 = vector.broadcast %jit3A_15 : i32 to vector<64x512xi32>
    %select_n3A_17 = arith.select %gt3A_13, %broadcast_in_dim3A_16, %select_n3A_11 : vector<64x512xi1>, vector<64x512xi32>
    %slice3A_18 = vector.extract_strided_slice %get3A_1 {offsets = [0, 2048], sizes = [64, 512], strides = [1, 1]} : vector<64x32768xf32> to vector<64x512xf32>
    %gt3A_19 = arith.cmpf ogt, %slice3A_18, %select_n3A_14 : vector<64x512xf32>
    %select_n3A_20 = arith.select %gt3A_19, %slice3A_18, %select_n3A_14 : vector<64x512xi1>, vector<64x512xf32>
    %jit3A_21 = arith.constant 4 : i32
    %broadcast_in_dim3A_22 = vector.broadcast %jit3A_21 : i32 to vector<64x512xi32>
    %select_n3A_23 = arith.select %gt3A_19, %broadcast_in_dim3A_22, %select_n3A_17 : vector<64x512xi1>, vector<64x512xi32>
    %slice3A_24 = vector.extract_strided_slice %get3A_1 {offsets = [0, 2560], sizes = [64, 512], strides = [1, 1]} : vector<64x32768xf32> to vector<64x512xf32>
    %gt3A_25 = arith.cmpf ogt, %slice3A_24, %select_n3A_20 : vector<64x512xf32>
    %select_n3A_26 = arith.select %gt3A_25, %slice3A_24, %select_n3A_20 : vector<64x512xi1>, vector<64x512xf32>
    %jit3A_27 = arith.constant 5 : i32
    %broadcast_in_dim3A_28 = vector.broadcast %jit3A_27 : i32 to vector<64x512xi32>
    %select_n3A_29 = arith.select %gt3A_25, %broadcast_in_dim3A_28, %select_n3A_23 : vector<64x512xi1>, vector<64x512xi32>
    %slice3A_30 = vector.extract_strided_slice %get3A_1 {offsets = [0, 3072], sizes = [64, 512], strides = [1, 1]} : vector<64x32768xf32> to vector<64x512xf32>
    %gt3A_31 = arith.cmpf ogt, %slice3A_30, %select_n3A_26 : vector<64x512xf32>
    %select_n3A_32 = arith.select %gt3A_31, %slice3A_30, %select_n3A_26 : vector<64x512xi1>, vector<64x512xf32>
    %jit3A_33 = arith.constant 6 : i32
    %broadcast_in_dim3A_34 = vector.broadcast %jit3A_33 : i32 to vector<64x512xi32>
    %select_n3A_35 = arith.select %gt3A_31, %broadcast_in_dim3A_34, %select_n3A_29 : vector<64x512xi1>, vector<64x512xi32>
    %slice3A_36 = vector.extract_strided_slice %get3A_1 {offsets = [0, 3584], sizes = [64, 512], strides = [1, 1]} : vector<64x32768xf32> to vector<64x512xf32>
    %gt3A_37 = arith.cmpf ogt, %slice3A_36, %select_n3A_32 : vector<64x512xf32>
    %select_n3A_38 = arith.select %gt3A_37, %slice3A_36, %select_n3A_32 : vector<64x512xi1>, vector<64x512xf32>
    %jit3A_39 = arith.constant 7 : i32
    %broadcast_in_dim3A_40 = vector.broadcast %jit3A_39 : i32 to vector<64x512xi32>
    %select_n3A_41 = arith.select %gt3A_37, %broadcast_in_dim3A_40, %select_n3A_35 : vector<64x512xi1>, vector<64x512xi32>
    %slice3A_42 = vector.extract_strided_slice %get3A_1 {offsets = [0, 4096], sizes = [64, 512], strides = [1, 1]} : vector<64x32768xf32> to vector<64x512xf32>
    %gt3A_43 = arith.cmpf ogt, %slice3A_42, %select_n3A_38 : vector<64x512xf32>
    %select_n3A_44 = arith.select %gt3A_43, %slice3A_42, %select_n3A_38 : vector<64x512xi1>, vector<64x512xf32>
    %jit3A_45 = arith.constant 8 : i32
    %broadcast_in_dim3A_46 = vector.broadcast %jit3A_45 : i32 to vector<64x512xi32>
    %select_n3A_47 = arith.select %gt3A_43, %broadcast_in_dim3A_46, %select_n3A_41 : vector<64x512xi1>, vector<64x512xi32>
    %slice3A_48 = vector.extract_strided_slice %get3A_1 {offsets = [0, 4608], sizes = [64, 512], strides = [1, 1]} : vector<64x32768xf32> to vector<64x512xf32>
    %gt3A_49 = arith.cmpf ogt, %slice3A_48, %select_n3A_44 : vector<64x512xf32>
    %select_n3A_50 = arith.select %gt3A_49, %slice3A_48, %select_n3A_44 : vector<64x512xi1>, vector<64x512xf32>
    %jit3A_51 = arith.constant 9 : i32
    %broadcast_in_dim3A_52 = vector.broadcast %jit3A_51 : i32 to vector<64x512xi32>
    %select_n3A_53 = arith.select %gt3A_49, %broadcast_in_dim3A_52, %select_n3A_47 : vector<64x512xi1>, vector<64x512xi32>
    %slice3A_54 = vector.extract_strided_slice %get3A_1 {offsets = [0, 5120], sizes = [64, 512], strides = [1, 1]} : vector<64x32768xf32> to vector<64x512xf32>
    %gt3A_55 = arith.cmpf ogt, %slice3A_54, %select_n3A_50 : vector<64x512xf32>
    %select_n3A_56 = arith.select %gt3A_55, %slice3A_54, %select_n3A_50 : vector<64x512xi1>, vector<64x512xf32>
    %jit3A_57 = arith.constant 10 : i32
    %broadcast_in_dim3A_58 = vector.broadcast %jit3A_57 : i32 to vector<64x512xi32>
    %select_n3A_59 = arith.select %gt3A_55, %broadcast_in_dim3A_58, %select_n3A_53 : vector<64x512xi1>, vector<64x512xi32>
    %slice3A_60 = vector.extract_strided_slice %get3A_1 {offsets = [0, 5632], sizes = [64, 512], strides = [1, 1]} : vector<64x32768xf32> to vector<64x512xf32>
    %gt3A_61 = arith.cmpf ogt, %slice3A_60, %select_n3A_56 : vector<64x512xf32>
    %select_n3A_62 = arith.select %gt3A_61, %slice3A_60, %select_n3A_56 : vector<64x512xi1>, vector<64x512xf32>
    %jit3A_63 = arith.constant 11 : i32
    %broadcast_in_dim3A_64 = vector.broadcast %jit3A_63 : i32 to vector<64x512xi32>
    %select_n3A_65 = arith.select %gt3A_61, %broadcast_in_dim3A_64, %select_n3A_59 : vector<64x512xi1>, vector<64x512xi32>
    %slice3A_66 = vector.extract_strided_slice %get3A_1 {offsets = [0, 6144], sizes = [64, 512], strides = [1, 1]} : vector<64x32768xf32> to vector<64x512xf32>
    %gt3A_67 = arith.cmpf ogt, %slice3A_66, %select_n3A_62 : vector<64x512xf32>
    %select_n3A_68 = arith.select %gt3A_67, %slice3A_66, %select_n3A_62 : vector<64x512xi1>, vector<64x512xf32>
    %jit3A_69 = arith.constant 12 : i32
    %broadcast_in_dim3A_70 = vector.broadcast %jit3A_69 : i32 to vector<64x512xi32>
    %select_n3A_71 = arith.select %gt3A_67, %broadcast_in_dim3A_70, %select_n3A_65 : vector<64x512xi1>, vector<64x512xi32>
    %slice3A_72 = vector.extract_strided_slice %get3A_1 {offsets = [0, 6656], sizes = [64, 512], strides = [1, 1]} : vector<64x32768xf32> to vector<64x512xf32>
    %gt3A_73 = arith.cmpf ogt, %slice3A_72, %select_n3A_68 : vector<64x512xf32>
    %select_n3A_74 = arith.select %gt3A_73, %slice3A_72, %select_n3A_68 : vector<64x512xi1>, vector<64x512xf32>
    %jit3A_75 = arith.constant 13 : i32
    %broadcast_in_dim3A_76 = vector.broadcast %jit3A_75 : i32 to vector<64x512xi32>
    %select_n3A_77 = arith.select %gt3A_73, %broadcast_in_dim3A_76, %select_n3A_71 : vector<64x512xi1>, vector<64x512xi32>
    %slice3A_78 = vector.extract_strided_slice %get3A_1 {offsets = [0, 7168], sizes = [64, 512], strides = [1, 1]} : vector<64x32768xf32> to vector<64x512xf32>
    %gt3A_79 = arith.cmpf ogt, %slice3A_78, %select_n3A_74 : vector<64x512xf32>
    %select_n3A_80 = arith.select %gt3A_79, %slice3A_78, %select_n3A_74 : vector<64x512xi1>, vector<64x512xf32>
    %jit3A_81 = arith.constant 14 : i32
    %broadcast_in_dim3A_82 = vector.broadcast %jit3A_81 : i32 to vector<64x512xi32>
    %select_n3A_83 = arith.select %gt3A_79, %broadcast_in_dim3A_82, %select_n3A_77 : vector<64x512xi1>, vector<64x512xi32>
    %slice3A_84 = vector.extract_strided_slice %get3A_1 {offsets = [0, 7680], sizes = [64, 512], strides = [1, 1]} : vector<64x32768xf32> to vector<64x512xf32>
    %gt3A_85 = arith.cmpf ogt, %slice3A_84, %select_n3A_80 : vector<64x512xf32>
    %select_n3A_86 = arith.select %gt3A_85, %slice3A_84, %select_n3A_80 : vector<64x512xi1>, vector<64x512xf32>
    %jit3A_87 = arith.constant 15 : i32
    %broadcast_in_dim3A_88 = vector.broadcast %jit3A_87 : i32 to vector<64x512xi32>
    %select_n3A_89 = arith.select %gt3A_85, %broadcast_in_dim3A_88, %select_n3A_83 : vector<64x512xi1>, vector<64x512xi32>
    %slice3A_90 = vector.extract_strided_slice %get3A_1 {offsets = [0, 8192], sizes = [64, 512], strides = [1, 1]} : vector<64x32768xf32> to vector<64x512xf32>
    %gt3A_91 = arith.cmpf ogt, %slice3A_90, %select_n3A_86 : vector<64x512xf32>
    %select_n3A_92 = arith.select %gt3A_91, %slice3A_90, %select_n3A_86 : vector<64x512xi1>, vector<64x512xf32>
    %jit3A_93 = arith.constant 16 : i32
    %broadcast_in_dim3A_94 = vector.broadcast %jit3A_93 : i32 to vector<64x512xi32>
    %select_n3A_95 = arith.select %gt3A_91, %broadcast_in_dim3A_94, %select_n3A_89 : vector<64x512xi1>, vector<64x512xi32>
    %slice3A_96 = vector.extract_strided_slice %get3A_1 {offsets = [0, 8704], sizes = [64, 512], strides = [1, 1]} : vector<64x32768xf32> to vector<64x512xf32>
    %gt3A_97 = arith.cmpf ogt, %slice3A_96, %select_n3A_92 : vector<64x512xf32>
    %select_n3A_98 = arith.select %gt3A_97, %slice3A_96, %select_n3A_92 : vector<64x512xi1>, vector<64x512xf32>
    %jit3A_99 = arith.constant 17 : i32
    %broadcast_in_dim3A_100 = vector.broadcast %jit3A_99 : i32 to vector<64x512xi32>
    %select_n3A_101 = arith.select %gt3A_97, %broadcast_in_dim3A_100, %select_n3A_95 : vector<64x512xi1>, vector<64x512xi32>
    %slice3A_102 = vector.extract_strided_slice %get3A_1 {offsets = [0, 9216], sizes = [64, 512], strides = [1, 1]} : vector<64x32768xf32> to vector<64x512xf32>
    %gt3A_103 = arith.cmpf ogt, %slice3A_102, %select_n3A_98 : vector<64x512xf32>
    %select_n3A_104 = arith.select %gt3A_103, %slice3A_102, %select_n3A_98 : vector<64x512xi1>, vector<64x512xf32>
    %jit3A_105 = arith.constant 18 : i32
    %broadcast_in_dim3A_106 = vector.broadcast %jit3A_105 : i32 to vector<64x512xi32>
    %select_n3A_107 = arith.select %gt3A_103, %broadcast_in_dim3A_106, %select_n3A_101 : vector<64x512xi1>, vector<64x512xi32>
    %slice3A_108 = vector.extract_strided_slice %get3A_1 {offsets = [0, 9728], sizes = [64, 512], strides = [1, 1]} : vector<64x32768xf32> to vector<64x512xf32>
    %gt3A_109 = arith.cmpf ogt, %slice3A_108, %select_n3A_104 : vector<64x512xf32>
    %select_n3A_110 = arith.select %gt3A_109, %slice3A_108, %select_n3A_104 : vector<64x512xi1>, vector<64x512xf32>
    %jit3A_111 = arith.constant 19 : i32
    %broadcast_in_dim3A_112 = vector.broadcast %jit3A_111 : i32 to vector<64x512xi32>
    %select_n3A_113 = arith.select %gt3A_109, %broadcast_in_dim3A_112, %select_n3A_107 : vector<64x512xi1>, vector<64x512xi32>
    %slice3A_114 = vector.extract_strided_slice %get3A_1 {offsets = [0, 10240], sizes = [64, 512], strides = [1, 1]} : vector<64x32768xf32> to vector<64x512xf32>
    %gt3A_115 = arith.cmpf ogt, %slice3A_114, %select_n3A_110 : vector<64x512xf32>
    %select_n3A_116 = arith.select %gt3A_115, %slice3A_114, %select_n3A_110 : vector<64x512xi1>, vector<64x512xf32>
    %jit3A_117 = arith.constant 20 : i32
    %broadcast_in_dim3A_118 = vector.broadcast %jit3A_117 : i32 to vector<64x512xi32>
    %select_n3A_119 = arith.select %gt3A_115, %broadcast_in_dim3A_118, %select_n3A_113 : vector<64x512xi1>, vector<64x512xi32>
    %slice3A_120 = vector.extract_strided_slice %get3A_1 {offsets = [0, 10752], sizes = [64, 512], strides = [1, 1]} : vector<64x32768xf32> to vector<64x512xf32>
    %gt3A_121 = arith.cmpf ogt, %slice3A_120, %select_n3A_116 : vector<64x512xf32>
    %select_n3A_122 = arith.select %gt3A_121, %slice3A_120, %select_n3A_116 : vector<64x512xi1>, vector<64x512xf32>
    %jit3A_123 = arith.constant 21 : i32
    %broadcast_in_dim3A_124 = vector.broadcast %jit3A_123 : i32 to vector<64x512xi32>
    %select_n3A_125 = arith.select %gt3A_121, %broadcast_in_dim3A_124, %select_n3A_119 : vector<64x512xi1>, vector<64x512xi32>
    %slice3A_126 = vector.extract_strided_slice %get3A_1 {offsets = [0, 11264], sizes = [64, 512], strides = [1, 1]} : vector<64x32768xf32> to vector<64x512xf32>
    %gt3A_127 = arith.cmpf ogt, %slice3A_126, %select_n3A_122 : vector<64x512xf32>
    %select_n3A_128 = arith.select %gt3A_127, %slice3A_126, %select_n3A_122 : vector<64x512xi1>, vector<64x512xf32>
    %jit3A_129 = arith.constant 22 : i32
    %broadcast_in_dim3A_130 = vector.broadcast %jit3A_129 : i32 to vector<64x512xi32>
    %select_n3A_131 = arith.select %gt3A_127, %broadcast_in_dim3A_130, %select_n3A_125 : vector<64x512xi1>, vector<64x512xi32>
    %slice3A_132 = vector.extract_strided_slice %get3A_1 {offsets = [0, 11776], sizes = [64, 512], strides = [1, 1]} : vector<64x32768xf32> to vector<64x512xf32>
    %gt3A_133 = arith.cmpf ogt, %slice3A_132, %select_n3A_128 : vector<64x512xf32>
    %select_n3A_134 = arith.select %gt3A_133, %slice3A_132, %select_n3A_128 : vector<64x512xi1>, vector<64x512xf32>
    %jit3A_135 = arith.constant 23 : i32
    %broadcast_in_dim3A_136 = vector.broadcast %jit3A_135 : i32 to vector<64x512xi32>
    %select_n3A_137 = arith.select %gt3A_133, %broadcast_in_dim3A_136, %select_n3A_131 : vector<64x512xi1>, vector<64x512xi32>
    %slice3A_138 = vector.extract_strided_slice %get3A_1 {offsets = [0, 12288], sizes = [64, 512], strides = [1, 1]} : vector<64x32768xf32> to vector<64x512xf32>
    %gt3A_139 = arith.cmpf ogt, %slice3A_138, %select_n3A_134 : vector<64x512xf32>
    %select_n3A_140 = arith.select %gt3A_139, %slice3A_138, %select_n3A_134 : vector<64x512xi1>, vector<64x512xf32>
    %jit3A_141 = arith.constant 24 : i32
    %broadcast_in_dim3A_142 = vector.broadcast %jit3A_141 : i32 to vector<64x512xi32>
    %select_n3A_143 = arith.select %gt3A_139, %broadcast_in_dim3A_142, %select_n3A_137 : vector<64x512xi1>, vector<64x512xi32>
    %slice3A_144 = vector.extract_strided_slice %get3A_1 {offsets = [0, 12800], sizes = [64, 512], strides = [1, 1]} : vector<64x32768xf32> to vector<64x512xf32>
    %gt3A_145 = arith.cmpf ogt, %slice3A_144, %select_n3A_140 : vector<64x512xf32>
    %select_n3A_146 = arith.select %gt3A_145, %slice3A_144, %select_n3A_140 : vector<64x512xi1>, vector<64x512xf32>
    %jit3A_147 = arith.constant 25 : i32
    %broadcast_in_dim3A_148 = vector.broadcast %jit3A_147 : i32 to vector<64x512xi32>
    %select_n3A_149 = arith.select %gt3A_145, %broadcast_in_dim3A_148, %select_n3A_143 : vector<64x512xi1>, vector<64x512xi32>
    %slice3A_150 = vector.extract_strided_slice %get3A_1 {offsets = [0, 13312], sizes = [64, 512], strides = [1, 1]} : vector<64x32768xf32> to vector<64x512xf32>
    %gt3A_151 = arith.cmpf ogt, %slice3A_150, %select_n3A_146 : vector<64x512xf32>
    %select_n3A_152 = arith.select %gt3A_151, %slice3A_150, %select_n3A_146 : vector<64x512xi1>, vector<64x512xf32>
    %jit3A_153 = arith.constant 26 : i32
    %broadcast_in_dim3A_154 = vector.broadcast %jit3A_153 : i32 to vector<64x512xi32>
    %select_n3A_155 = arith.select %gt3A_151, %broadcast_in_dim3A_154, %select_n3A_149 : vector<64x512xi1>, vector<64x512xi32>
    %slice3A_156 = vector.extract_strided_slice %get3A_1 {offsets = [0, 13824], sizes = [64, 512], strides = [1, 1]} : vector<64x32768xf32> to vector<64x512xf32>
    %gt3A_157 = arith.cmpf ogt, %slice3A_156, %select_n3A_152 : vector<64x512xf32>
    %select_n3A_158 = arith.select %gt3A_157, %slice3A_156, %select_n3A_152 : vector<64x512xi1>, vector<64x512xf32>
    %jit3A_159 = arith.constant 27 : i32
    %broadcast_in_dim3A_160 = vector.broadcast %jit3A_159 : i32 to vector<64x512xi32>
    %select_n3A_161 = arith.select %gt3A_157, %broadcast_in_dim3A_160, %select_n3A_155 : vector<64x512xi1>, vector<64x512xi32>
    %slice3A_162 = vector.extract_strided_slice %get3A_1 {offsets = [0, 14336], sizes = [64, 512], strides = [1, 1]} : vector<64x32768xf32> to vector<64x512xf32>
    %gt3A_163 = arith.cmpf ogt, %slice3A_162, %select_n3A_158 : vector<64x512xf32>
    %select_n3A_164 = arith.select %gt3A_163, %slice3A_162, %select_n3A_158 : vector<64x512xi1>, vector<64x512xf32>
    %jit3A_165 = arith.constant 28 : i32
    %broadcast_in_dim3A_166 = vector.broadcast %jit3A_165 : i32 to vector<64x512xi32>
    %select_n3A_167 = arith.select %gt3A_163, %broadcast_in_dim3A_166, %select_n3A_161 : vector<64x512xi1>, vector<64x512xi32>
    %slice3A_168 = vector.extract_strided_slice %get3A_1 {offsets = [0, 14848], sizes = [64, 512], strides = [1, 1]} : vector<64x32768xf32> to vector<64x512xf32>
    %gt3A_169 = arith.cmpf ogt, %slice3A_168, %select_n3A_164 : vector<64x512xf32>
    %select_n3A_170 = arith.select %gt3A_169, %slice3A_168, %select_n3A_164 : vector<64x512xi1>, vector<64x512xf32>
    %jit3A_171 = arith.constant 29 : i32
    %broadcast_in_dim3A_172 = vector.broadcast %jit3A_171 : i32 to vector<64x512xi32>
    %select_n3A_173 = arith.select %gt3A_169, %broadcast_in_dim3A_172, %select_n3A_167 : vector<64x512xi1>, vector<64x512xi32>
    %slice3A_174 = vector.extract_strided_slice %get3A_1 {offsets = [0, 15360], sizes = [64, 512], strides = [1, 1]} : vector<64x32768xf32> to vector<64x512xf32>
    %gt3A_175 = arith.cmpf ogt, %slice3A_174, %select_n3A_170 : vector<64x512xf32>
    %select_n3A_176 = arith.select %gt3A_175, %slice3A_174, %select_n3A_170 : vector<64x512xi1>, vector<64x512xf32>
    %jit3A_177 = arith.constant 30 : i32
    %broadcast_in_dim3A_178 = vector.broadcast %jit3A_177 : i32 to vector<64x512xi32>
    %select_n3A_179 = arith.select %gt3A_175, %broadcast_in_dim3A_178, %select_n3A_173 : vector<64x512xi1>, vector<64x512xi32>
    %slice3A_180 = vector.extract_strided_slice %get3A_1 {offsets = [0, 15872], sizes = [64, 512], strides = [1, 1]} : vector<64x32768xf32> to vector<64x512xf32>
    %gt3A_181 = arith.cmpf ogt, %slice3A_180, %select_n3A_176 : vector<64x512xf32>
    %select_n3A_182 = arith.select %gt3A_181, %slice3A_180, %select_n3A_176 : vector<64x512xi1>, vector<64x512xf32>
    %jit3A_183 = arith.constant 31 : i32
    %broadcast_in_dim3A_184 = vector.broadcast %jit3A_183 : i32 to vector<64x512xi32>
    %select_n3A_185 = arith.select %gt3A_181, %broadcast_in_dim3A_184, %select_n3A_179 : vector<64x512xi1>, vector<64x512xi32>
    %slice3A_186 = vector.extract_strided_slice %get3A_1 {offsets = [0, 16384], sizes = [64, 512], strides = [1, 1]} : vector<64x32768xf32> to vector<64x512xf32>
    %gt3A_187 = arith.cmpf ogt, %slice3A_186, %select_n3A_182 : vector<64x512xf32>
    %select_n3A_188 = arith.select %gt3A_187, %slice3A_186, %select_n3A_182 : vector<64x512xi1>, vector<64x512xf32>
    %jit3A_189 = arith.constant 32 : i32
    %broadcast_in_dim3A_190 = vector.broadcast %jit3A_189 : i32 to vector<64x512xi32>
    %select_n3A_191 = arith.select %gt3A_187, %broadcast_in_dim3A_190, %select_n3A_185 : vector<64x512xi1>, vector<64x512xi32>
    %slice3A_192 = vector.extract_strided_slice %get3A_1 {offsets = [0, 16896], sizes = [64, 512], strides = [1, 1]} : vector<64x32768xf32> to vector<64x512xf32>
    %gt3A_193 = arith.cmpf ogt, %slice3A_192, %select_n3A_188 : vector<64x512xf32>
    %select_n3A_194 = arith.select %gt3A_193, %slice3A_192, %select_n3A_188 : vector<64x512xi1>, vector<64x512xf32>
    %jit3A_195 = arith.constant 33 : i32
    %broadcast_in_dim3A_196 = vector.broadcast %jit3A_195 : i32 to vector<64x512xi32>
    %select_n3A_197 = arith.select %gt3A_193, %broadcast_in_dim3A_196, %select_n3A_191 : vector<64x512xi1>, vector<64x512xi32>
    %slice3A_198 = vector.extract_strided_slice %get3A_1 {offsets = [0, 17408], sizes = [64, 512], strides = [1, 1]} : vector<64x32768xf32> to vector<64x512xf32>
    %gt3A_199 = arith.cmpf ogt, %slice3A_198, %select_n3A_194 : vector<64x512xf32>
    %select_n3A_200 = arith.select %gt3A_199, %slice3A_198, %select_n3A_194 : vector<64x512xi1>, vector<64x512xf32>
    %jit3A_201 = arith.constant 34 : i32
    %broadcast_in_dim3A_202 = vector.broadcast %jit3A_201 : i32 to vector<64x512xi32>
    %select_n3A_203 = arith.select %gt3A_199, %broadcast_in_dim3A_202, %select_n3A_197 : vector<64x512xi1>, vector<64x512xi32>
    %slice3A_204 = vector.extract_strided_slice %get3A_1 {offsets = [0, 17920], sizes = [64, 512], strides = [1, 1]} : vector<64x32768xf32> to vector<64x512xf32>
    %gt3A_205 = arith.cmpf ogt, %slice3A_204, %select_n3A_200 : vector<64x512xf32>
    %select_n3A_206 = arith.select %gt3A_205, %slice3A_204, %select_n3A_200 : vector<64x512xi1>, vector<64x512xf32>
    %jit3A_207 = arith.constant 35 : i32
    %broadcast_in_dim3A_208 = vector.broadcast %jit3A_207 : i32 to vector<64x512xi32>
    %select_n3A_209 = arith.select %gt3A_205, %broadcast_in_dim3A_208, %select_n3A_203 : vector<64x512xi1>, vector<64x512xi32>
    %slice3A_210 = vector.extract_strided_slice %get3A_1 {offsets = [0, 18432], sizes = [64, 512], strides = [1, 1]} : vector<64x32768xf32> to vector<64x512xf32>
    %gt3A_211 = arith.cmpf ogt, %slice3A_210, %select_n3A_206 : vector<64x512xf32>
    %select_n3A_212 = arith.select %gt3A_211, %slice3A_210, %select_n3A_206 : vector<64x512xi1>, vector<64x512xf32>
    %jit3A_213 = arith.constant 36 : i32
    %broadcast_in_dim3A_214 = vector.broadcast %jit3A_213 : i32 to vector<64x512xi32>
    %select_n3A_215 = arith.select %gt3A_211, %broadcast_in_dim3A_214, %select_n3A_209 : vector<64x512xi1>, vector<64x512xi32>
    %slice3A_216 = vector.extract_strided_slice %get3A_1 {offsets = [0, 18944], sizes = [64, 512], strides = [1, 1]} : vector<64x32768xf32> to vector<64x512xf32>
    %gt3A_217 = arith.cmpf ogt, %slice3A_216, %select_n3A_212 : vector<64x512xf32>
    %select_n3A_218 = arith.select %gt3A_217, %slice3A_216, %select_n3A_212 : vector<64x512xi1>, vector<64x512xf32>
    %jit3A_219 = arith.constant 37 : i32
    %broadcast_in_dim3A_220 = vector.broadcast %jit3A_219 : i32 to vector<64x512xi32>
    %select_n3A_221 = arith.select %gt3A_217, %broadcast_in_dim3A_220, %select_n3A_215 : vector<64x512xi1>, vector<64x512xi32>
    %slice3A_222 = vector.extract_strided_slice %get3A_1 {offsets = [0, 19456], sizes = [64, 512], strides = [1, 1]} : vector<64x32768xf32> to vector<64x512xf32>
    %gt3A_223 = arith.cmpf ogt, %slice3A_222, %select_n3A_218 : vector<64x512xf32>
    %select_n3A_224 = arith.select %gt3A_223, %slice3A_222, %select_n3A_218 : vector<64x512xi1>, vector<64x512xf32>
    %jit3A_225 = arith.constant 38 : i32
    %broadcast_in_dim3A_226 = vector.broadcast %jit3A_225 : i32 to vector<64x512xi32>
    %select_n3A_227 = arith.select %gt3A_223, %broadcast_in_dim3A_226, %select_n3A_221 : vector<64x512xi1>, vector<64x512xi32>
    %slice3A_228 = vector.extract_strided_slice %get3A_1 {offsets = [0, 19968], sizes = [64, 512], strides = [1, 1]} : vector<64x32768xf32> to vector<64x512xf32>
    %gt3A_229 = arith.cmpf ogt, %slice3A_228, %select_n3A_224 : vector<64x512xf32>
    %select_n3A_230 = arith.select %gt3A_229, %slice3A_228, %select_n3A_224 : vector<64x512xi1>, vector<64x512xf32>
    %jit3A_231 = arith.constant 39 : i32
    %broadcast_in_dim3A_232 = vector.broadcast %jit3A_231 : i32 to vector<64x512xi32>
    %select_n3A_233 = arith.select %gt3A_229, %broadcast_in_dim3A_232, %select_n3A_227 : vector<64x512xi1>, vector<64x512xi32>
    %slice3A_234 = vector.extract_strided_slice %get3A_1 {offsets = [0, 20480], sizes = [64, 512], strides = [1, 1]} : vector<64x32768xf32> to vector<64x512xf32>
    %gt3A_235 = arith.cmpf ogt, %slice3A_234, %select_n3A_230 : vector<64x512xf32>
    %select_n3A_236 = arith.select %gt3A_235, %slice3A_234, %select_n3A_230 : vector<64x512xi1>, vector<64x512xf32>
    %jit3A_237 = arith.constant 40 : i32
    %broadcast_in_dim3A_238 = vector.broadcast %jit3A_237 : i32 to vector<64x512xi32>
    %select_n3A_239 = arith.select %gt3A_235, %broadcast_in_dim3A_238, %select_n3A_233 : vector<64x512xi1>, vector<64x512xi32>
    %slice3A_240 = vector.extract_strided_slice %get3A_1 {offsets = [0, 20992], sizes = [64, 512], strides = [1, 1]} : vector<64x32768xf32> to vector<64x512xf32>
    %gt3A_241 = arith.cmpf ogt, %slice3A_240, %select_n3A_236 : vector<64x512xf32>
    %select_n3A_242 = arith.select %gt3A_241, %slice3A_240, %select_n3A_236 : vector<64x512xi1>, vector<64x512xf32>
    %jit3A_243 = arith.constant 41 : i32
    %broadcast_in_dim3A_244 = vector.broadcast %jit3A_243 : i32 to vector<64x512xi32>
    %select_n3A_245 = arith.select %gt3A_241, %broadcast_in_dim3A_244, %select_n3A_239 : vector<64x512xi1>, vector<64x512xi32>
    %slice3A_246 = vector.extract_strided_slice %get3A_1 {offsets = [0, 21504], sizes = [64, 512], strides = [1, 1]} : vector<64x32768xf32> to vector<64x512xf32>
    %gt3A_247 = arith.cmpf ogt, %slice3A_246, %select_n3A_242 : vector<64x512xf32>
    %select_n3A_248 = arith.select %gt3A_247, %slice3A_246, %select_n3A_242 : vector<64x512xi1>, vector<64x512xf32>
    %jit3A_249 = arith.constant 42 : i32
    %broadcast_in_dim3A_250 = vector.broadcast %jit3A_249 : i32 to vector<64x512xi32>
    %select_n3A_251 = arith.select %gt3A_247, %broadcast_in_dim3A_250, %select_n3A_245 : vector<64x512xi1>, vector<64x512xi32>
    %slice3A_252 = vector.extract_strided_slice %get3A_1 {offsets = [0, 22016], sizes = [64, 512], strides = [1, 1]} : vector<64x32768xf32> to vector<64x512xf32>
    %gt3A_253 = arith.cmpf ogt, %slice3A_252, %select_n3A_248 : vector<64x512xf32>
    %select_n3A_254 = arith.select %gt3A_253, %slice3A_252, %select_n3A_248 : vector<64x512xi1>, vector<64x512xf32>
    %jit3A_255 = arith.constant 43 : i32
    %broadcast_in_dim3A_256 = vector.broadcast %jit3A_255 : i32 to vector<64x512xi32>
    %select_n3A_257 = arith.select %gt3A_253, %broadcast_in_dim3A_256, %select_n3A_251 : vector<64x512xi1>, vector<64x512xi32>
    %slice3A_258 = vector.extract_strided_slice %get3A_1 {offsets = [0, 22528], sizes = [64, 512], strides = [1, 1]} : vector<64x32768xf32> to vector<64x512xf32>
    %gt3A_259 = arith.cmpf ogt, %slice3A_258, %select_n3A_254 : vector<64x512xf32>
    %select_n3A_260 = arith.select %gt3A_259, %slice3A_258, %select_n3A_254 : vector<64x512xi1>, vector<64x512xf32>
    %jit3A_261 = arith.constant 44 : i32
    %broadcast_in_dim3A_262 = vector.broadcast %jit3A_261 : i32 to vector<64x512xi32>
    %select_n3A_263 = arith.select %gt3A_259, %broadcast_in_dim3A_262, %select_n3A_257 : vector<64x512xi1>, vector<64x512xi32>
    %slice3A_264 = vector.extract_strided_slice %get3A_1 {offsets = [0, 23040], sizes = [64, 512], strides = [1, 1]} : vector<64x32768xf32> to vector<64x512xf32>
    %gt3A_265 = arith.cmpf ogt, %slice3A_264, %select_n3A_260 : vector<64x512xf32>
    %select_n3A_266 = arith.select %gt3A_265, %slice3A_264, %select_n3A_260 : vector<64x512xi1>, vector<64x512xf32>
    %jit3A_267 = arith.constant 45 : i32
    %broadcast_in_dim3A_268 = vector.broadcast %jit3A_267 : i32 to vector<64x512xi32>
    %select_n3A_269 = arith.select %gt3A_265, %broadcast_in_dim3A_268, %select_n3A_263 : vector<64x512xi1>, vector<64x512xi32>
    %slice3A_270 = vector.extract_strided_slice %get3A_1 {offsets = [0, 23552], sizes = [64, 512], strides = [1, 1]} : vector<64x32768xf32> to vector<64x512xf32>
    %gt3A_271 = arith.cmpf ogt, %slice3A_270, %select_n3A_266 : vector<64x512xf32>
    %select_n3A_272 = arith.select %gt3A_271, %slice3A_270, %select_n3A_266 : vector<64x512xi1>, vector<64x512xf32>
    %jit3A_273 = arith.constant 46 : i32
    %broadcast_in_dim3A_274 = vector.broadcast %jit3A_273 : i32 to vector<64x512xi32>
    %select_n3A_275 = arith.select %gt3A_271, %broadcast_in_dim3A_274, %select_n3A_269 : vector<64x512xi1>, vector<64x512xi32>
    %slice3A_276 = vector.extract_strided_slice %get3A_1 {offsets = [0, 24064], sizes = [64, 512], strides = [1, 1]} : vector<64x32768xf32> to vector<64x512xf32>
    %gt3A_277 = arith.cmpf ogt, %slice3A_276, %select_n3A_272 : vector<64x512xf32>
    %select_n3A_278 = arith.select %gt3A_277, %slice3A_276, %select_n3A_272 : vector<64x512xi1>, vector<64x512xf32>
    %jit3A_279 = arith.constant 47 : i32
    %broadcast_in_dim3A_280 = vector.broadcast %jit3A_279 : i32 to vector<64x512xi32>
    %select_n3A_281 = arith.select %gt3A_277, %broadcast_in_dim3A_280, %select_n3A_275 : vector<64x512xi1>, vector<64x512xi32>
    %slice3A_282 = vector.extract_strided_slice %get3A_1 {offsets = [0, 24576], sizes = [64, 512], strides = [1, 1]} : vector<64x32768xf32> to vector<64x512xf32>
    %gt3A_283 = arith.cmpf ogt, %slice3A_282, %select_n3A_278 : vector<64x512xf32>
    %select_n3A_284 = arith.select %gt3A_283, %slice3A_282, %select_n3A_278 : vector<64x512xi1>, vector<64x512xf32>
    %jit3A_285 = arith.constant 48 : i32
    %broadcast_in_dim3A_286 = vector.broadcast %jit3A_285 : i32 to vector<64x512xi32>
    %select_n3A_287 = arith.select %gt3A_283, %broadcast_in_dim3A_286, %select_n3A_281 : vector<64x512xi1>, vector<64x512xi32>
    %slice3A_288 = vector.extract_strided_slice %get3A_1 {offsets = [0, 25088], sizes = [64, 512], strides = [1, 1]} : vector<64x32768xf32> to vector<64x512xf32>
    %gt3A_289 = arith.cmpf ogt, %slice3A_288, %select_n3A_284 : vector<64x512xf32>
    %select_n3A_290 = arith.select %gt3A_289, %slice3A_288, %select_n3A_284 : vector<64x512xi1>, vector<64x512xf32>
    %jit3A_291 = arith.constant 49 : i32
    %broadcast_in_dim3A_292 = vector.broadcast %jit3A_291 : i32 to vector<64x512xi32>
    %select_n3A_293 = arith.select %gt3A_289, %broadcast_in_dim3A_292, %select_n3A_287 : vector<64x512xi1>, vector<64x512xi32>
    %slice3A_294 = vector.extract_strided_slice %get3A_1 {offsets = [0, 25600], sizes = [64, 512], strides = [1, 1]} : vector<64x32768xf32> to vector<64x512xf32>
    %gt3A_295 = arith.cmpf ogt, %slice3A_294, %select_n3A_290 : vector<64x512xf32>
    %select_n3A_296 = arith.select %gt3A_295, %slice3A_294, %select_n3A_290 : vector<64x512xi1>, vector<64x512xf32>
    %jit3A_297 = arith.constant 50 : i32
    %broadcast_in_dim3A_298 = vector.broadcast %jit3A_297 : i32 to vector<64x512xi32>
    %select_n3A_299 = arith.select %gt3A_295, %broadcast_in_dim3A_298, %select_n3A_293 : vector<64x512xi1>, vector<64x512xi32>
    %slice3A_300 = vector.extract_strided_slice %get3A_1 {offsets = [0, 26112], sizes = [64, 512], strides = [1, 1]} : vector<64x32768xf32> to vector<64x512xf32>
    %gt3A_301 = arith.cmpf ogt, %slice3A_300, %select_n3A_296 : vector<64x512xf32>
    %select_n3A_302 = arith.select %gt3A_301, %slice3A_300, %select_n3A_296 : vector<64x512xi1>, vector<64x512xf32>
    %jit3A_303 = arith.constant 51 : i32
    %broadcast_in_dim3A_304 = vector.broadcast %jit3A_303 : i32 to vector<64x512xi32>
    %select_n3A_305 = arith.select %gt3A_301, %broadcast_in_dim3A_304, %select_n3A_299 : vector<64x512xi1>, vector<64x512xi32>
    %slice3A_306 = vector.extract_strided_slice %get3A_1 {offsets = [0, 26624], sizes = [64, 512], strides = [1, 1]} : vector<64x32768xf32> to vector<64x512xf32>
    %gt3A_307 = arith.cmpf ogt, %slice3A_306, %select_n3A_302 : vector<64x512xf32>
    %select_n3A_308 = arith.select %gt3A_307, %slice3A_306, %select_n3A_302 : vector<64x512xi1>, vector<64x512xf32>
    %jit3A_309 = arith.constant 52 : i32
    %broadcast_in_dim3A_310 = vector.broadcast %jit3A_309 : i32 to vector<64x512xi32>
    %select_n3A_311 = arith.select %gt3A_307, %broadcast_in_dim3A_310, %select_n3A_305 : vector<64x512xi1>, vector<64x512xi32>
    %slice3A_312 = vector.extract_strided_slice %get3A_1 {offsets = [0, 27136], sizes = [64, 512], strides = [1, 1]} : vector<64x32768xf32> to vector<64x512xf32>
    %gt3A_313 = arith.cmpf ogt, %slice3A_312, %select_n3A_308 : vector<64x512xf32>
    %select_n3A_314 = arith.select %gt3A_313, %slice3A_312, %select_n3A_308 : vector<64x512xi1>, vector<64x512xf32>
    %jit3A_315 = arith.constant 53 : i32
    %broadcast_in_dim3A_316 = vector.broadcast %jit3A_315 : i32 to vector<64x512xi32>
    %select_n3A_317 = arith.select %gt3A_313, %broadcast_in_dim3A_316, %select_n3A_311 : vector<64x512xi1>, vector<64x512xi32>
    %slice3A_318 = vector.extract_strided_slice %get3A_1 {offsets = [0, 27648], sizes = [64, 512], strides = [1, 1]} : vector<64x32768xf32> to vector<64x512xf32>
    %gt3A_319 = arith.cmpf ogt, %slice3A_318, %select_n3A_314 : vector<64x512xf32>
    %select_n3A_320 = arith.select %gt3A_319, %slice3A_318, %select_n3A_314 : vector<64x512xi1>, vector<64x512xf32>
    %jit3A_321 = arith.constant 54 : i32
    %broadcast_in_dim3A_322 = vector.broadcast %jit3A_321 : i32 to vector<64x512xi32>
    %select_n3A_323 = arith.select %gt3A_319, %broadcast_in_dim3A_322, %select_n3A_317 : vector<64x512xi1>, vector<64x512xi32>
    %slice3A_324 = vector.extract_strided_slice %get3A_1 {offsets = [0, 28160], sizes = [64, 512], strides = [1, 1]} : vector<64x32768xf32> to vector<64x512xf32>
    %gt3A_325 = arith.cmpf ogt, %slice3A_324, %select_n3A_320 : vector<64x512xf32>
    %select_n3A_326 = arith.select %gt3A_325, %slice3A_324, %select_n3A_320 : vector<64x512xi1>, vector<64x512xf32>
    %jit3A_327 = arith.constant 55 : i32
    %broadcast_in_dim3A_328 = vector.broadcast %jit3A_327 : i32 to vector<64x512xi32>
    %select_n3A_329 = arith.select %gt3A_325, %broadcast_in_dim3A_328, %select_n3A_323 : vector<64x512xi1>, vector<64x512xi32>
    %slice3A_330 = vector.extract_strided_slice %get3A_1 {offsets = [0, 28672], sizes = [64, 512], strides = [1, 1]} : vector<64x32768xf32> to vector<64x512xf32>
    %gt3A_331 = arith.cmpf ogt, %slice3A_330, %select_n3A_326 : vector<64x512xf32>
    %select_n3A_332 = arith.select %gt3A_331, %slice3A_330, %select_n3A_326 : vector<64x512xi1>, vector<64x512xf32>
    %jit3A_333 = arith.constant 56 : i32
    %broadcast_in_dim3A_334 = vector.broadcast %jit3A_333 : i32 to vector<64x512xi32>
    %select_n3A_335 = arith.select %gt3A_331, %broadcast_in_dim3A_334, %select_n3A_329 : vector<64x512xi1>, vector<64x512xi32>
    %slice3A_336 = vector.extract_strided_slice %get3A_1 {offsets = [0, 29184], sizes = [64, 512], strides = [1, 1]} : vector<64x32768xf32> to vector<64x512xf32>
    %gt3A_337 = arith.cmpf ogt, %slice3A_336, %select_n3A_332 : vector<64x512xf32>
    %select_n3A_338 = arith.select %gt3A_337, %slice3A_336, %select_n3A_332 : vector<64x512xi1>, vector<64x512xf32>
    %jit3A_339 = arith.constant 57 : i32
    %broadcast_in_dim3A_340 = vector.broadcast %jit3A_339 : i32 to vector<64x512xi32>
    %select_n3A_341 = arith.select %gt3A_337, %broadcast_in_dim3A_340, %select_n3A_335 : vector<64x512xi1>, vector<64x512xi32>
    %slice3A_342 = vector.extract_strided_slice %get3A_1 {offsets = [0, 29696], sizes = [64, 512], strides = [1, 1]} : vector<64x32768xf32> to vector<64x512xf32>
    %gt3A_343 = arith.cmpf ogt, %slice3A_342, %select_n3A_338 : vector<64x512xf32>
    %select_n3A_344 = arith.select %gt3A_343, %slice3A_342, %select_n3A_338 : vector<64x512xi1>, vector<64x512xf32>
    %jit3A_345 = arith.constant 58 : i32
    %broadcast_in_dim3A_346 = vector.broadcast %jit3A_345 : i32 to vector<64x512xi32>
    %select_n3A_347 = arith.select %gt3A_343, %broadcast_in_dim3A_346, %select_n3A_341 : vector<64x512xi1>, vector<64x512xi32>
    %slice3A_348 = vector.extract_strided_slice %get3A_1 {offsets = [0, 30208], sizes = [64, 512], strides = [1, 1]} : vector<64x32768xf32> to vector<64x512xf32>
    %gt3A_349 = arith.cmpf ogt, %slice3A_348, %select_n3A_344 : vector<64x512xf32>
    %select_n3A_350 = arith.select %gt3A_349, %slice3A_348, %select_n3A_344 : vector<64x512xi1>, vector<64x512xf32>
    %jit3A_351 = arith.constant 59 : i32
    %broadcast_in_dim3A_352 = vector.broadcast %jit3A_351 : i32 to vector<64x512xi32>
    %select_n3A_353 = arith.select %gt3A_349, %broadcast_in_dim3A_352, %select_n3A_347 : vector<64x512xi1>, vector<64x512xi32>
    %slice3A_354 = vector.extract_strided_slice %get3A_1 {offsets = [0, 30720], sizes = [64, 512], strides = [1, 1]} : vector<64x32768xf32> to vector<64x512xf32>
    %gt3A_355 = arith.cmpf ogt, %slice3A_354, %select_n3A_350 : vector<64x512xf32>
    %select_n3A_356 = arith.select %gt3A_355, %slice3A_354, %select_n3A_350 : vector<64x512xi1>, vector<64x512xf32>
    %jit3A_357 = arith.constant 60 : i32
    %broadcast_in_dim3A_358 = vector.broadcast %jit3A_357 : i32 to vector<64x512xi32>
    %select_n3A_359 = arith.select %gt3A_355, %broadcast_in_dim3A_358, %select_n3A_353 : vector<64x512xi1>, vector<64x512xi32>
    %slice3A_360 = vector.extract_strided_slice %get3A_1 {offsets = [0, 31232], sizes = [64, 512], strides = [1, 1]} : vector<64x32768xf32> to vector<64x512xf32>
    %gt3A_361 = arith.cmpf ogt, %slice3A_360, %select_n3A_356 : vector<64x512xf32>
    %select_n3A_362 = arith.select %gt3A_361, %slice3A_360, %select_n3A_356 : vector<64x512xi1>, vector<64x512xf32>
    %jit3A_363 = arith.constant 61 : i32
    %broadcast_in_dim3A_364 = vector.broadcast %jit3A_363 : i32 to vector<64x512xi32>
    %select_n3A_365 = arith.select %gt3A_361, %broadcast_in_dim3A_364, %select_n3A_359 : vector<64x512xi1>, vector<64x512xi32>
    %slice3A_366 = vector.extract_strided_slice %get3A_1 {offsets = [0, 31744], sizes = [64, 512], strides = [1, 1]} : vector<64x32768xf32> to vector<64x512xf32>
    %gt3A_367 = arith.cmpf ogt, %slice3A_366, %select_n3A_362 : vector<64x512xf32>
    %select_n3A_368 = arith.select %gt3A_367, %slice3A_366, %select_n3A_362 : vector<64x512xi1>, vector<64x512xf32>
    %jit3A_369 = arith.constant 62 : i32
    %broadcast_in_dim3A_370 = vector.broadcast %jit3A_369 : i32 to vector<64x512xi32>
    %select_n3A_371 = arith.select %gt3A_367, %broadcast_in_dim3A_370, %select_n3A_365 : vector<64x512xi1>, vector<64x512xi32>
    %slice3A_372 = vector.extract_strided_slice %get3A_1 {offsets = [0, 32256], sizes = [64, 512], strides = [1, 1]} : vector<64x32768xf32> to vector<64x512xf32>
    %gt3A_373 = arith.cmpf ogt, %slice3A_372, %select_n3A_368 : vector<64x512xf32>
    %select_n3A_374 = arith.select %gt3A_373, %slice3A_372, %select_n3A_368 : vector<64x512xi1>, vector<64x512xf32>
    %jit3A_375 = arith.constant 63 : i32
    %broadcast_in_dim3A_376 = vector.broadcast %jit3A_375 : i32 to vector<64x512xi32>
    %select_n3A_377 = arith.select %gt3A_373, %broadcast_in_dim3A_376, %select_n3A_371 : vector<64x512xi1>, vector<64x512xi32>
    %reduce_max3A = arith.constant dense<0xFF800000> : vector<64xf32>
    %reduce_max3A_378 = vector.multi_reduction <maximumf>, %select_n3A_374, %reduce_max3A [1] : vector<64x512xf32> to vector<64xf32>
    %broadcast_in_dim3A_379 = vector.shape_cast %reduce_max3A_378 : vector<64xf32> to vector<64x1xf32>
    %iota3A = tpu.iota {dimensions = array<i32: 1>} : vector<64x512xi32>
    %mul3A = arith.constant 512 : i32
    %mul3A_380 = vector.broadcast %mul3A : i32 to vector<64x512xi32>
    %mul3A_381 = arith.muli %select_n3A_377, %mul3A_380 : vector<64x512xi32>
    %add3A = arith.addi %mul3A_381, %iota3A : vector<64x512xi32>
    %eq3A = vector.broadcast %broadcast_in_dim3A_379 : vector<64x1xf32> to vector<64x512xf32>
    %eq3A_382 = arith.cmpf oeq, %select_n3A_374, %eq3A : vector<64x512xf32>
    %jit3A_383 = arith.constant 32768 : i32
    %broadcast_in_dim3A_384 = vector.broadcast %jit3A_383 : i32 to vector<64x512xi32>
    %select_n3A_385 = arith.select %eq3A_382, %add3A, %broadcast_in_dim3A_384 : vector<64x512xi1>, vector<64x512xi32>
    %reduce_min3A = arith.constant dense<2147483647> : vector<64xi32>
    %reduce_min3A_386 = vector.multi_reduction <minsi>, %select_n3A_385, %reduce_min3A [1] : vector<64x512xi32> to vector<64xi32>
    %swap3A = arith.constant 0 : index
    %swap3A_387 = arith.constant 0 : index
    %swap3A_388 = arith.constant 0 : index
    %swap3A_389 = vector.load %arg2[%swap3A, %swap3A_387, %swap3A_388] : memref<1x1x64xi32, #tpu.memory_space<vmem>>, vector<1x1x64xi32>
    %swap3A_390 = vector.shape_cast %swap3A_389 : vector<1x1x64xi32> to vector<64xi32>
    %swap3A_391 = vector.shape_cast %reduce_min3A_386 : vector<64xi32> to vector<1x1x64xi32>
    tpu.vector_store %arg2[%swap3A, %swap3A_387, %swap3A_388], %swap3A_391 {strides = array<i32>} : memref<1x1x64xi32, #tpu.memory_space<vmem>>, vector<1x1x64xi32>,
    return
  }
  func.func @transform_0(%arg0: i32) -> (i32, i32) {
    %c0_i32 = arith.constant 0 : i32
    %c0_i32_0 = arith.constant 0 : i32
    return %arg0, %c0_i32 : i32, i32
  }
  func.func @transform_1(%arg0: i32) -> (i32, i32, i32) {
    %c0_i32 = arith.constant 0 : i32
    %c0_i32_0 = arith.constant 0 : i32
    %c0_i32_1 = arith.constant 0 : i32
    return %arg0, %c0_i32, %c0_i32_0 : i32, i32, i32
  }
}

</mosaic_0001>

<sc_bundles>
// kernel: kernel.4.cloned.1.call-start
scs
__scs_entry_jumppad:
0x0: {  	(pc) =	sbr.rel $0x88, $3  }
0x1: {  	(tag) =	ssettag $0x0;
	lr =	simm.s32 $0x1  }
0x2: {  	[smem:$0x3FA0] =	sst lr;
	_ =	strace $0xD0000000  }
0x3: {  	_ = 	snop  }
0x4: {  	_ = 	snop  }
0x5: {  	_ = 	snop  }
0x6: {  	_ = 	snop  }
0x7: {  	_ = 	snop  }
__scs_overlays_trampoline_lowered:
0x8: {  	[smem:$0x3FAF] =	sst s0  }
0x9: {  	[smem:$0x3FB0] =	sst s1  }
0xa: {  	[smem:$0x3FB1] =	sst s2  }
0xb: {  	[smem:$0x3FB2] =	sst s3  }
0xc: {  	[smem:$0x3FB3] =	sst s4  }
0xd: {  	[smem:$0x3FB4] =	sst s5  }
0xe: {  	[smem:$0x3FB5] =	sst s6  }
0xf: {  	[smem:$0x3FB6] =	sst s7  }
0x10: {  	[smem:$0x3FB7] =	sst s8  }
0x11: {  	[smem:$0x3FB8] =	sst s9;
	s0 =	simm.s32 @!p0 $0x0  }
0x12: {  	s1 =	sld [smem:$0x3F9E];
	s0 =	simm.s32 @p0 $0x1  }
0x13: {  	[smem:$0x3FB9] =	sst s0;
	s0 =	simm.s32 @!p1 $0x0  }
0x14: {  	s2 =	sld [smem:$0x3F9D];
	s0 =	simm.s32 @p1 $0x1  }
0x15: {  	[smem:$0x3FBA] =	sst s0;
	s0 =	simm.s32 @!p2 $0x0  }
0x16: {  	s3 =	sld [smem:$0x3FDB];
	s0 =	simm.s32 @p2 $0x1  }
0x17: {  	s4 =	simm.s32 $0x1BF5;
	[smem:$0x3FBC] =	sst s0  }
0x18: {  	s0 =	sld [smem:$0x3F9F];
	_ =	swait.ge [sflag:s4], $0x0  }
0x19: {  	s7 =	sld [smem:$0x3FA0]  }
0x1a: {  	s8 =	sadd.s32 $0xFFFFE003, lr  }
0x1b: {  	s9 =	sadd.s32 $0xFFFFFEF7, lr;
	s5 =	simm.s32 $0xFFFFFFFF;
	p2 =	slt.u32 s8, $0xFFFFF086  }
0x1c: {  	p1 =	slt.u32 s9, $0xF7A;
	s5 =	simm.s32 @!p2 $0x0  }
0x1d: {  	s5 =	simm.s32 @p1 $0x1;
	p0 =	seq.s32 s7, s2  }
0x1e: {  	s7 =	smul.u32 @!p0 $0xF7A, s2;
	p2 =	seq.s32 @!p0 s5, $0x0  }
0x1f: {  	s9 =	smul.u32 $0xF7A, s1;
	s8 =	simm.s32 @!p0 $0x1BF5;
	p2 =	por !p2, p0  }
0x20: {  	[sflag:s8] =	ssyncset.s32 @!p0 $0xFFFFF086;
	s6 =	sadd.s32 @!p0 s3, s7;
	s7 =	simm.s32 @!p0 $0x108  }
0x21: {  	s3 =	sadd.s32 s3, s9;
	s6 =	sadd.s32 @!p0 $0x88, s6;
	s7 =	simm.s32 @p2 $0x1082  }
0x22: {  	[simem:s7], [sflag:s8] =	dma.local @!p0 [hbm:s6], $0xF7A  }
0x23: {  	s9 =	sor.u32 $0xD0000000, s2;
	s6 =	simm.s32 $0x108;
	_ =	swait.ge @!p0 [sflag:s8], $0x0  }
0x24: {  	s3 =	sadd.s32 $0x88, s3;
	s6 =	simm.s32 @!p1 $0x1082;
	[sflag:s4] =	ssyncset.s32 $0xFFFFF086  }
0x25: {  	[simem:s6], [sflag:s4] =	dma.local [hbm:s3], $0xF7A  }
0x26: {  	[smem:$0x3FA0] =	sst s1;
	(tag) =	ssettag s2;
	_ =	strace s9  }
0x27: {  	s1 =	sld [smem:$0x3FB0]  }
0x28: {  	s2 =	sld [smem:$0x3FB1]  }
0x29: {  	s4 =	sld [smem:$0x3FB3]  }
0x2a: {  	p0 =	seq.s32 s5, $0x0;
	s5 =	sld [smem:$0x3FB4]  }
0x2b: {  	s6 =	sld [smem:$0x3FB5]  }
0x2c: {  	s7 =	sld [smem:$0x3FB6]  }
0x2d: {  	s3 =	simm.s32 $0x108;
	s8 =	sld [smem:$0x3FB7]  }
0x2e: {  	s3 =	simm.s32 @!p0 $0x1082;
	s9 =	sld [smem:$0x3FB8]  }
0x2f: {  	lr =	sadd.s32 s0, s3;
	s0 =	sld [smem:$0x3FAF]  }
0x30: {  	s3 =	sld [smem:$0x3FB2]  }
0x31: {  	[smem:$0x3FBB] =	sst s10  }
0x32: {  	s10 =	sld [smem:$0x3FB9];
	_ =	sdelay $0x3  }
0x33: {  	p0 =	seq.s32 s10, $0x1;
	s10 =	sld [smem:$0x3FBB];
	_ =	sdelay $0x3  }
0x34: {  	[smem:$0x3FBB] =	sst s10  }
0x35: {  	s10 =	sld [smem:$0x3FBA];
	_ =	sdelay $0x3  }
0x36: {  	p1 =	seq.s32 s10, $0x1;
	s10 =	sld [smem:$0x3FBB];
	_ =	sdelay $0x3  }
0x37: {  	[smem:$0x3FBB] =	sst s10  }
0x38: {  	s10 =	sld [smem:$0x3FBC]  }
0x39: {  	_ = 	snop;
	(pc) =	sbr.ind lr, $3  }
0x3a: {  	_ = 	snop  }
0x3b: {  	_ = 	snop  }
0x3c: {  	p2 =	seq.s32 s10, $0x1;
	s10 =	sld [smem:$0x3FBB]  }
0x3d: {  	_ =	shalt  }
0x3e: {  	_ =	shalt  }
0x3f: {  	_ =	shalt  }
0x40: {  	_ =	shalt  }
0x41: {  	_ =	shalt  }
0x42: {  	_ =	shalt  }
0x43: {  	_ =	shalt  }
0x44: {  	_ =	shalt  }
0x45: {  	_ =	shalt  }
0x46: {  	_ =	shalt  }
0x47: {  	_ =	shalt  }
0x48: {  	_ =	shalt  }
0x49: {  	_ =	shalt  }
0x4a: {  	_ =	shalt  }
0x4b: {  	_ =	shalt  }
0x4c: {  	_ =	shalt  }
0x4d: {  	_ =	shalt  }
0x4e: {  	_ =	shalt  }
0x4f: {  	_ =	shalt  }
0x50: {  	_ =	shalt  }
0x51: {  	_ =	shalt  }
0x52: {  	_ =	shalt  }
0x53: {  	_ =	shalt  }
0x54: {  	_ =	shalt  }
0x55: {  	_ =	shalt  }
0x56: {  	_ =	shalt  }
0x57: {  	_ =	shalt  }
0x58: {  	_ =	shalt  }
0x59: {  	_ =	shalt  }
0x5a: {  	_ =	shalt  }
0x5b: {  	_ =	shalt  }
0x5c: {  	_ =	shalt  }
0x5d: {  	_ =	shalt  }
0x5e: {  	_ =	shalt  }
0x5f: {  	_ =	shalt  }
0x60: {  	_ =	shalt  }
0x61: {  	_ =	shalt  }
0x62: {  	_ =	shalt  }
0x63: {  	_ =	shalt  }
0x64: {  	_ =	shalt  }
0x65: {  	_ =	shalt  }
0x66: {  	_ =	shalt  }
0x67: {  	_ =	shalt  }
0x68: {  	_ =	shalt  }
0x69: {  	_ =	shalt  }
0x6a: {  	_ =	shalt  }
0x6b: {  	_ =	shalt  }
0x6c: {  	_ =	shalt  }
0x6d: {  	_ =	shalt  }
0x6e: {  	_ =	shalt  }
0x6f: {  	_ =	shalt  }
0x70: {  	_ =	shalt  }
0x71: {  	_ =	shalt  }
0x72: {  	_ =	shalt  }
0x73: {  	_ =	shalt  }
0x74: {  	_ =	shalt  }
0x75: {  	_ =	shalt  }
0x76: {  	_ =	shalt  }
0x77: {  	_ =	shalt  }
0x78: {  	_ =	shalt  }
0x79: {  	_ =	shalt  }
0x7a: {  	_ =	shalt  }
0x7b: {  	_ =	shalt  }
0x7c: {  	_ =	shalt  }
0x7d: {  	_ =	shalt  }
0x7e: {  	_ =	shalt  }
0x7f: {  	_ =	shalt  }
0x80: {  	_ =	shalt  }
0x81: {  	_ =	shalt  }
0x82: {  	_ =	shalt  }
0x83: {  	_ =	shalt  }
0x84: {  	_ =	shalt  }
0x85: {  	_ =	shalt  }
0x86: {  	_ =	shalt  }
0x87: {  	_ =	shalt  }
.Lfunc_end0:
.L_simem_size_0:
called_computation_lowered:
.L_overlay_start_0:
0x88: {  	s2 =	sld [smem:$0x3FD9]  }
0x89: {  	s3 =	sld [smem:$0x3FFE];
	_ =	sdelay $0x1  }
0x8a: {  	s1 =	srdreg.scid  }
0x8b: {  	s0 =	sand.u32 $0x1, s1  }
0x8c: {  	s18 =	sshll.u32 s0, $0xA;
	s2 =	sadd.s32 s3, s2  }
0x8d: {  	s2 =	sadd.s32 s2, s18  }
0x8e: {  	[smem:$0x3FC7] =	sst s2  }
0x8f: {  	_ = 	snop  }
0x90: {  	s2 =	sld [smem:$0x3FC9]  }
0x91: {  	s19 =	sld [smem:$0x3FD0];
	(tm) =	ssettm $0x1  }
0x92: {  	s4 =	sld [smem:$0x3FFB];
	_ =	sdelay $0x3  }
0x93: {  	_ =	strace s4  }
0x94: {  	s4 =	sld [smem:$0x3FFC];
	_ =	sdelay $0x3  }
0x95: {  	_ =	strace s4  }
0x96: {  	s4 =	sld [smem:$0x3FFD];
	_ =	sdelay $0x3  }
0x97: {  	_ =	strace s4  }
0x98: {  	_ =	strace $0x8FFFFFFF  }
0x99: {  	s20 =	sld [smem:$0x3FDB];
	_ =	sdelay $0x1  }
0x9a: {  	s5 =	simm.s32 $_scs_section_size  }
0x9b: {  	s6 =	simm.s32 $_size__tile_overlayer_lowered;
	s7 =	simm.s32 $_tile_overlayer_lowered  }
0x9c: {  	s23 =	simm.s32 $0x1BFF;
	s22 =	sshll.u32 s7, $0x1;
	s4 =	sadd.s32 s5, s20  }
0x9d: {  	s8 =	simm.s32 $0x0;
	s21 =	sshll.u32 s6, $0x1;
	s6 =	sadd.s32 s22, s4  }
0x9e: {  	[timem:s8], [sflag:s23] =	dma.local [hbm:s6], s21  }
0x9f: {  	_ =	swait.ge [sflag:s23], s21  }
0xa0: {  	s5 =	ssub.s32 $0x0, s21;
	[sflag:s23] =	ssyncset.done $0x0  }
0xa1: {  	[sflag:s23] =	ssyncadd.s32 s5;
	_ =	sdelay $0x1  }
0xa2: {  	s24 =	simm.s32 $0x1B8B  }
0xa3: {  	_ =	swait.ge [sflag:s24], $0x1  }
0xa4: {  	[sflag:s24] =	ssyncset.done $0x0  }
0xa5: {  	s25 =	simm.s32 $0x1B8E;
	[sflag:s24] =	ssyncadd.s32 $0xFFFFFFFF  }
0xa6: {  	s26 =	simm.s32 $execute0_lowered;
	[smem:$0x3FD2] =	sst s25  }
0xa7: {  	s5 =	sshll.u32 s26, $0x1;
	_ =	strace $0x80000046;
	[dreg:$0x1] =	wrdreg $0xFFFFFFFF  }
0xa8: {  	s28 =	simm.s32 $_size_execute0_lowered;
	s4 =	sadd.s32 s4, s5;
	[dreg:$0x0] =	wrdreg $0x0  }
0xa9: {  	s5 =	sshll.u32 s28, $0x1;
	[dreg:$0x2] =	wrdreg s4  }
0xaa: {  	[dreg:$0x3] =	wrdreg s5  }
0xab: {  	[dreg:$0x4] =	wrdreg $0xC0  }
0xac: {  	_ =	task [dreg:s8], $0x5FFFF  }
0xad: {  	[dreg:$0x1] =	wrdreg $0xFFFFFFFF  }
0xae: {  	[dreg:$0x0] =	wrdreg $0x60  }
0xaf: {  	[dreg:$0x2] =	wrdreg s2  }
0xb0: {  	[dreg:$0x3] =	wrdreg s19  }
0xb1: {  	[dreg:$0x4] =	wrdreg $0x9  }
0xb2: {  	_ =	task.clear_ibuf [dreg:s8], $0x5FFFF;
	_ =	strace $0x90000046  }
0xb3: {  	s29 =	simm.s32 $0x9;
	_ =	strace $0x80000048  }
0xb4: {  	_ =	swait.ge [sflag:s29], $0x1  }
0xb5: {  	[sflag:s29] =	ssyncadd.s32 $0xFFFFFFFF  }
0xb6: {  	_ =	strace $0x90000048  }
0xb7: {  	_ =	sfence  }
0xb8: {  	s30 =	sld [smem:$0x0];
	_ =	sdelay $0x2  }
0xb9: {  	s31 =	sshll.u32 s1, $0xD;
	s1 =	sshrl.u32 s1, $0x2  }
0xba: {  	s3 =	sand.u32 $0x4000, s31;
	s1 =	sadd.s32 s1, s30  }
0xbb: {  	s0 =	sor.u32 s3, s0;
	s1 =	sshll.u32 s1, $0x11  }
0xbc: {  	s0 =	sor.u32 s1, s0  }
0xbd: {  	s0 =	sadd.s32 $0x8F2B, s0  }
0xbe: {  	[sflag:s0] =	ssyncadd.remote.s32 $0x1  }
0xbf: {  	_ =	sfence.sel $0xFFFF  }
0xc0: {  	[dreg:$0x0] =	wrdreg $0xFFFFFFFF;
	(pc) =	sbr.abs _section_cstart, $3  }
0xc1: {  	[dreg:$0x1] =	wrdreg $0xFFFFFFFF  }
0xc2: {  	_ =	task.clear_ibuf [dreg:s8], $0x2FFFF;
	_ =	strace $0x9FFFFFFF  }
0xc3: {  	(tm) =	ssettm $0x7FFFFFFF  }
tec
execute0_lowered:
.L_overlay_start_1:
0x0: {  	(tag) =	ssettag $0x1  }
0x1: {  	s1 =	srdreg.scid  }
0x2: {  	s0 =	stileid.u32;
	s2 =	rddreg [dreg:$0x0]  }
0x3: {  	s10 =	rddreg [dreg:$0x1];
	s3 =	simm.s32 $0x0;
	s14 =	simm.s32 $0x4000  }
0x4: {  	s15 =	simm.s32 $0x8000;
	s16 =	simm.s32 $0xC000;
	s17 =	simm.s32 $0x1  }
0x5: {  	s18 =	simm.s32 $0x2;
	s19 =	simm.s32 $0x3;
	s20 =	simm.s32 $0x4  }
0x6: {  	s22 =	simm.s32 $0x5;
	s4 =	sand.u32 $0x1, s1;
	s29 =	sshll.u32 s0, $0x1  }
0x7: {  	s23 =	simm.s32 $0x0;
	[smem:$0x7FF] =	sst s3;
	s9 =	sor.u32 s4, s29  }
0x8: {  	s6 =	ssub.s32 $0x2, s4;
	_ =	strace $0x80000047;
	s5 =	smul.u32 $0x18, s9  }
0x9: {  	s30 =	sshrl.u32 s6, $0x1;
	s8 =	smul.u32 $0x18000, s9;
	s13 =	sshll.u32 s9, $0x2  }
0xa: {  	s11 =	ssub.s32 s6, s30;
	s6 =	sadd.s32 $0x4000, s2;
	s4 =	sadd.s32 $0x500, s5  }
0xb: {  	s10 =	sadd.s32 s10, s13;
	s13 =	simm.s32 $0x400;
	s7 =	sshll.u32 s4, $0xC  }
0xc: {  	s12 =	sadd.s32 $0x500010, s8;
	s11 =	smax.u32 s11, $0x1;
	s7 =	sand.u32 $0x7F8000, s7  }
0xd: {  	s8 =	sadd.s32 s2, s12;
	s9 =	sadd.s32 s12, s6;
	s31 =	sadd.s32 s2, s7  }
0xe: {  	v0 =	vlaneseq.u32;
	vm0 =	vmxor vm0, vm0;
	v1 =	vimm.s32 $0x0;
	s12 =	simm.s32 $0x80;
	s7 =	sadd.s32 s7, s6;
	[dreg:$0x3] =	wrdreg s31  }
.LBB2_1:
0xf: {  	s0 =	rddreg [dreg:$0x3]  }
0x10: {  	[tilespmem:s3], [sflag:$0x1] =	stream.strided.gather [hbm4b:s0+s12], $0x4000, s13, s12, $0x38;
	[tilespmem:$0x10080] =	vst v63  }
0x11: {  	_ = 	snop  }
0x12: {  	[tilespmem:s14], [sflag:$0x2] =	stream.strided.gather [hbm4b:s7+s12], $0x4000, s13, s12, $0x38;
	[tilespmem:$0x10080] =	vst v63  }
0x13: {  	_ = 	snop  }
0x14: {  	[tilespmem:s15], [sflag:$0x3] =	stream.strided.gather [hbm4b:s8+s12], $0x4000, s13, s12, $0x38;
	[tilespmem:$0x10080] =	vst v63  }
0x15: {  	s24 =	simm.s32 $0x0  }
0x16: {  	v2 =	vimm.s32 $0x0;
	v3 =	vimm.s32 $0x0;
	[tilespmem:s16], [sflag:$0x4] =	stream.strided.gather [hbm4b:s9+s12], $0x4000, s13, s12, $0x38;
	[tilespmem:$0x10080] =	vst v63  }
.LBB2_2:
0x17: {  	_ =	swait.ge [sflag:s17], $0x4000  }
0x18: {  	[sflag:s17] =	ssyncset.done $0x0  }
0x19: {  	s26 =	simm.s32 $0x80;
	[sflag:s17] =	ssyncadd.s32 $0xFFFFC000  }
0x1a: {  	v9 =	vld [tilespmem:s26+$0xFFFFFF80]  }
0x1b: {  	v10 =	vld [tilespmem:s26+$0xFFFFFF90]  }
0x1c: {  	v24 =	vld [tilespmem:s26+$0xFFFFFFA0]  }
0x1d: {  	v20 =	vimm.f32 $-1.000000000e+00;
	s25 =	simm.s32 $0xF0;
	s28 =	simm.s32 $0x80;
	s29 =	simm.s32 $0x90;
	v27 =	vld [tilespmem:s26+$0xFFFFFFC0]  }
0x1e: {  	s5 =	simm.s32 $0xB0;
	s30 =	simm.s32 $0xC0;
	s31 =	simm.s32 $0x0;
	v4 =	vor.u32 s28, v0;
	v11 =	vor.u32 s29, v0;
	v13 =	vor.u32 s25, v0;
	v29 =	vld [tilespmem:s26+$0xFFFFFFD0]  }
0x1f: {  	s21 =	simm.s32 $0xE0;
	s0 =	simm.s32 $0x10;
	s1 =	simm.s32 $0x30;
	v17 =	vor.u32 s5, v0;
	v19 =	vor.u32 s30, v0;
	v23 =	vor.u32 s31, v0;
	v33 =	vld [tilespmem:s26+$0xFFFFFFE0]  }
0x20: {  	s28 =	simm.s32 $0xA0;
	s5 =	simm.s32 $0x20;
	v15 =	vor.u32 s21, v0;
	v25 =	vor.u32 s0, v0;
	v21 =	vor.u32 s1, v0;
	s21 =	simm.s32 $0x40;
	v34 =	vld [tilespmem:s26+$0xFFFFFFF0]  }
0x21: {  	s30 =	simm.s32 $0x60;
	s31 =	simm.s32 $0x70;
	v16 =	vor.u32 s28, v0;
	s28 =	simm.s32 $0xD0;
	v18 =	vor.u32 s5, v0;
	v22 =	vor.u32 s21, v0;
	v5 =	vld [tilespmem:s26+$0x0]  }
0x22: {  	v30 =	vor.u32 s30, v0;
	v32 =	vor.u32 s31, v0;
	v6 =	vld [tilespmem:s26+$0x10];
	v14 =	vor.u32 s28, v0;
	s28 =	simm.s32 $0x50  }
0x23: {  	v26 =	vld [tilespmem:s26+$0xFFFFFFB0];
	v31 =	vor.u32 s28, v0;
	vm1 =	vgt.f32 v9, v20;
	vm2 =	vgt.f32 v10, v20  }
0x24: {  	v7 =	vld [tilespmem:s26+$0x20];
	vm4 =	vgt.f32 v24, v20;
	vm3 =	vgt.f32 v27, v20;
	vm10 =	vgt.f32 v29, v20  }
0x25: {  	v12 =	vld [tilespmem:s26+$0x40];
	vm8 =	vgt.f32 v33, v20;
	vm9 =	vgt.f32 v34, v20;
	v9 =	vsel vm1, v9, v20  }
0x26: {  	v8 =	vld [tilespmem:s26+$0x30];
	v10 =	vsel vm2, v10, v20;
	v23 =	vsel vm1, v23, v1;
	vm1 =	vgt.f32 v5, v9  }
0x27: {  	v25 =	vsel vm2, v25, v1;
	vm2 =	vgt.f32 v6, v10;
	v9 =	vsel vm1, v5, v9  }
0x28: {  	v28 =	vld [tilespmem:s26+$0x50];
	v10 =	vsel vm2, v6, v10;
	v11 =	vsel vm2, v11, v25;
	vm2 =	vgt.f32 v26, v20  }
0x29: {  	v6 =	vld [tilespmem:s26+$0x60];
	v5 =	vsel vm4, v24, v20;
	v25 =	vsel vm3, v27, v20;
	v27 =	vimm.s32 $0x0  }
0x2a: {  	v24 =	vsel vm2, v26, v20;
	v26 =	vld [tilespmem:s26+$0x70];
	vm7 =	vgt.f32 v7, v5;
	vm6 =	vgt.f32 v12, v25  }
0x2b: {  	vm5 =	vgt.f32 v8, v24;
	v7 =	vsel vm7, v7, v5;
	v12 =	vsel vm6, v12, v25  }
0x2c: {  	v5 =	vsel vm10, v29, v20;
	v29 =	vimm.s32 $0x0;
	v25 =	vimm.s32 $0x0  }
0x2d: {  	v8 =	vsel vm5, v8, v24;
	v24 =	vsel vm8, v33, v20;
	vm13 =	vgt.f32 v28, v5  }
0x2e: {  	v20 =	vsel vm9, v34, v20;
	v5 =	vsel vm13, v28, v5;
	vm11 =	vgt.f32 v6, v24  }
0x2f: {  	v28 =	vimm.s32 $0x0;
	vm12 =	vgt.f32 v26, v20;
	v6 =	vsel vm11, v6, v24  }
0x30: {  	s28 =	simm.s32 $0x180;
	s26 =	simm.s32 $0x0;
	v24 =	vimm.s32 $0x0;
	v20 =	vsel vm12, v26, v20;
	v26 =	vimm.s32 $0x0  }
.LBB2_3:
0x31: {  	v33 =	vld [tilespmem:s28+$0x0];
	v29 =	vsel vm10, v31, v29;
	v27 =	vsel vm8, v30, v27;
	v28 =	vsel vm9, v32, v28  }
0x32: {  	v34 =	vld [tilespmem:s28+$0x10];
	v29 =	vsel vm13, v14, v29;
	v27 =	vsel vm11, v15, v27;
	v28 =	vsel vm12, v13, v28  }
0x33: {  	v13 =	vsel vm4, v18, v26;
	v14 =	vsel vm2, v21, v24;
	v15 =	vsel vm3, v22, v25;
	v35 =	vld [tilespmem:s28+$0x20]  }
0x34: {  	s25 =	sadd.s32 $0x100, s25;
	v26 =	vsel vm7, v16, v13;
	v24 =	vsel vm5, v17, v14;
	v25 =	vsel vm6, v19, v15;
	v36 =	vld [tilespmem:s28+$0x30]  }
0x35: {  	v23 =	vsel vm1, v4, v23;
	s1 =	sadd.s32 $0xFFFFFF90, s25;
	s29 =	sadd.s32 $0xFFFFFFA0, s25;
	v37 =	vld [tilespmem:s28+$0xFFFFFF80]  }
0x36: {  	s30 =	sadd.s32 $0xFFFFFFD0, s25;
	v4 =	vor.u32 s1, v0;
	v39 =	vor.u32 s29, v0;
	s1 =	sadd.s32 $0xFFFFFFB0, s25;
	s29 =	sadd.s32 $0xFFFFFFC0, s25;
	v13 =	vor.u32 s25, v0;
	v38 =	vld [tilespmem:s28+$0xFFFFFF90]  }
0x37: {  	s31 =	sadd.s32 $0xFFFFFF10, s25;
	v19 =	vor.u32 s30, v0;
	v16 =	vor.u32 s1, v0;
	v17 =	vor.u32 s29, v0;
	s1 =	sadd.s32 $0xFFFFFFE0, s25;
	s29 =	sadd.s32 $0xFFFFFFF0, s25;
	v40 =	vld [tilespmem:s28+$0x40]  }
0x38: {  	s0 =	sadd.s32 $0xFFFFFF40, s25;
	v41 =	vor.u32 s31, v0;
	s30 =	sadd.s32 $0xFFFFFF20, s25;
	s31 =	sadd.s32 $0xFFFFFF30, s25;
	v14 =	vor.u32 s1, v0;
	v15 =	vor.u32 s29, v0;
	v42 =	vld [tilespmem:s28+$0xFFFFFFA0]  }
0x39: {  	v21 =	vor.u32 s0, v0;
	s0 =	sadd.s32 $0xFFFFFF50, s25;
	v43 =	vor.u32 s30, v0;
	v18 =	vor.u32 s31, v0;
	s1 =	sadd.s32 $0xFFFFFF60, s25;
	s29 =	sadd.s32 $0xFFFFFF70, s25;
	v44 =	vld [tilespmem:s28+$0xFFFFFFB0]  }
0x3a: {  	v22 =	vor.u32 s0, v0;
	s0 =	sadd.s32 $0xFFFFFF80, s25;
	v31 =	vor.u32 s1, v0;
	v30 =	vor.u32 s29, v0;
	v45 =	vld [tilespmem:s28+$0xFFFFFFC0]  }
0x3b: {  	v32 =	vor.u32 s0, v0;
	vm1 =	vgt.f32 v37, v9;
	vm2 =	vgt.f32 v38, v10;
	v46 =	vld [tilespmem:s28+$0x50]  }
0x3c: {  	v9 =	vsel vm1, v37, v9;
	v10 =	vsel vm2, v38, v10;
	v11 =	vsel vm2, v43, v11;
	v37 =	vld [tilespmem:s28+$0xFFFFFFD0]  }
0x3d: {  	v23 =	vsel vm1, v41, v23;
	vm1 =	vgt.f32 v33, v9;
	v38 =	vld [tilespmem:s28+$0xFFFFFFE0];
	vm2 =	vgt.f32 v34, v10  }
0x3e: {  	s26 =	sadd.s32 $0x10, s26;
	v9 =	vsel vm1, v33, v9;
	v41 =	vld [tilespmem:s28+$0xFFFFFFF0];
	v10 =	vsel vm2, v34, v10;
	v11 =	vsel vm2, v39, v11  }
0x3f: {  	p0 =	slt.u32 s26, $0x3F0;
	vm4 =	vgt.f32 v42, v7;
	vm2 =	vgt.f32 v44, v8;
	vm3 =	vgt.f32 v45, v12;
	v33 =	vld [tilespmem:s28+$0x60]  }
0x40: {  	v7 =	vsel vm4, v42, v7;
	v8 =	vsel vm2, v44, v8;
	v12 =	vsel vm3, v45, v12;
	v34 =	vld [tilespmem:s28+$0x70]  }
0x41: {  	vm7 =	vgt.f32 v35, v7;
	vm5 =	vgt.f32 v36, v8;
	vm6 =	vgt.f32 v40, v12  }
.Ltmp0:
0x42: {  	v7 =	vsel vm7, v35, v7;
	v8 =	vsel vm5, v36, v8;
	v12 =	vsel vm6, v40, v12;
	(pc) =	sbr.rel @p0 .LBB2_3-.Ltmp0, $4  }
0x43: {  	vm10 =	vgt.f32 v37, v5;
	vm8 =	vgt.f32 v38, v6;
	vm9 =	vgt.f32 v41, v20  }
0x44: {  	v5 =	vsel vm10, v37, v5;
	v6 =	vsel vm8, v38, v6;
	v20 =	vsel vm9, v41, v20  }
0x45: {  	vm13 =	vgt.f32 v46, v5;
	vm11 =	vgt.f32 v33, v6;
	vm12 =	vgt.f32 v34, v20  }
0x46: {  	s28 =	sadd.s32 $0x100, s28;
	v5 =	vsel vm13, v46, v5;
	v6 =	vsel vm11, v33, v6;
	v20 =	vsel vm12, v34, v20  }
0x47: {  	_ =	swait.ge [sflag:s18], $0x4000  }
0x48: {  	[sflag:s18] =	ssyncset.done $0x0  }
0x49: {  	s26 =	simm.s32 $0x4080;
	[sflag:s18] =	ssyncadd.s32 $0xFFFFC000  }
0x4a: {  	v29 =	vsel vm10, v31, v29;
	v34 =	vld [tilespmem:s26+$0x0]  }
0x4b: {  	v27 =	vsel vm8, v30, v27;
	v28 =	vsel vm9, v32, v28;
	v18 =	vsel vm4, v18, v26;
	v35 =	vld [tilespmem:s26+$0x10]  }
0x4c: {  	v21 =	vsel vm2, v21, v24;
	v22 =	vsel vm3, v22, v25;
	v4 =	vsel vm1, v4, v23;
	v30 =	vld [tilespmem:s26+$0xFFFFFF80]  }
0x4d: {  	v14 =	vsel vm13, v14, v29;
	v15 =	vsel vm11, v15, v27;
	v13 =	vsel vm12, v13, v28;
	v38 =	vld [tilespmem:s26+$0xFFFFFF90]  }
0x4e: {  	s25 =	simm.s32 $0x40F0;
	s0 =	simm.s32 $0x4080;
	s1 =	simm.s32 $0x4090;
	v16 =	vsel vm7, v16, v18;
	v18 =	vsel vm5, v17, v21;
	v17 =	vsel vm6, v19, v22;
	v42 =	vld [tilespmem:s26+$0xFFFFFFA0]  }
0x4f: {  	s30 =	simm.s32 $0x40A0;
	s31 =	simm.s32 $0x40B0;
	s28 =	simm.s32 $0x40C0;
	v19 =	vor.u32 s0, v0;
	v39 =	vor.u32 s1, v0;
	v24 =	vor.u32 s25, v0;
	v44 =	vld [tilespmem:s26+$0xFFFFFFB0]  }
0x50: {  	s29 =	simm.s32 $0x4000;
	s5 =	simm.s32 $0x40E0;
	s21 =	simm.s32 $0x4020;
	v21 =	vor.u32 s30, v0;
	v22 =	vor.u32 s31, v0;
	v23 =	vor.u32 s28, v0;
	v59 =	vld [tilespmem:s26+$0xFFFFFFD0]  }
0x51: {  	s1 =	simm.s32 $0x40D0;
	v41 =	vor.u32 s29, v0;
	s28 =	simm.s32 $0x4010;
	s30 =	simm.s32 $0x4030;
	v27 =	vor.u32 s5, v0;
	v25 =	vor.u32 s21, v0;
	v60 =	vld [tilespmem:s26+$0xFFFFFFF0]  }
0x52: {  	s29 =	simm.s32 $0x4040;
	s31 =	simm.s32 $0x4070;
	v26 =	vor.u32 s1, v0;
	v43 =	vor.u32 s28, v0;
	v28 =	vor.u32 s30, v0;
	s30 =	simm.s32 $0x4050;
	v36 =	vld [tilespmem:s26+$0x20]  }
0x53: {  	s28 =	simm.s32 $0x4060;
	v29 =	vor.u32 s29, v0;
	v33 =	vor.u32 s31, v0;
	v37 =	vld [tilespmem:s26+$0x30];
	v31 =	vor.u32 s30, v0  }
0x54: {  	v32 =	vor.u32 s28, v0;
	v46 =	vld [tilespmem:s26+$0x50];
	vm1 =	vgt.f32 v30, v9;
	vm2 =	vgt.f32 v38, v10  }
0x55: {  	v63 =	vld [tilespmem:s26+$0x70];
	vm3 =	vgt.f32 v42, v7;
	vm4 =	vgt.f32 v44, v8;
	vm9 =	vgt.f32 v59, v5  }
0x56: {  	v45 =	vld [tilespmem:s26+$0xFFFFFFC0];
	vm8 =	vgt.f32 v60, v20;
	v9 =	vsel vm1, v30, v9;
	v10 =	vsel vm2, v38, v10  }
0x57: {  	v11 =	vsel vm2, v43, v11;
	v30 =	vsel vm1, v41, v4;
	v4 =	vld [tilespmem:s26+$0xFFFFFFE0];
	v7 =	vsel vm3, v42, v7  }
0x58: {  	v40 =	vld [tilespmem:s26+$0x40];
	v8 =	vsel vm4, v44, v8;
	v5 =	vsel vm9, v59, v5;
	v20 =	vsel vm8, v60, v20  }
0x59: {  	v61 =	vld [tilespmem:s26+$0x60];
	vm1 =	vgt.f32 v34, v9;
	vm2 =	vgt.f32 v35, v10;
	vm6 =	vgt.f32 v36, v7  }
0x5a: {  	vm7 =	vgt.f32 v37, v8;
	vm12 =	vgt.f32 v46, v5;
	vm11 =	vgt.f32 v63, v20  }
0x5b: {  	v10 =	vsel vm2, v35, v10;
	v11 =	vsel vm2, v39, v11;
	vm2 =	vgt.f32 v45, v12  }
0x5c: {  	v9 =	vsel vm1, v34, v9;
	v62 =	vsel vm2, v45, v12;
	vm10 =	vgt.f32 v4, v6  }
0x5d: {  	v8 =	vsel vm7, v37, v8;
	vm5 =	vgt.f32 v40, v62;
	v4 =	vsel vm10, v4, v6  }
0x5e: {  	v12 =	vsel vm6, v36, v7;
	v7 =	vsel vm5, v40, v62;
	vm13 =	vgt.f32 v61, v4  }
0x5f: {  	s28 =	simm.s32 $0x4180;
	s26 =	simm.s32 $0x0;
	v6 =	vsel vm12, v46, v5;
	v5 =	vsel vm13, v61, v4;
	v4 =	vsel vm11, v63, v20  }
.LBB2_5:
0x60: {  	v20 =	vld [tilespmem:s28+$0x0];
	v14 =	vsel vm9, v31, v14;
	v15 =	vsel vm10, v32, v15;
	v13 =	vsel vm8, v33, v13  }
0x61: {  	v34 =	vld [tilespmem:s28+$0x10];
	v14 =	vsel vm12, v26, v14;
	v15 =	vsel vm13, v27, v15;
	v13 =	vsel vm11, v24, v13  }
0x62: {  	v16 =	vsel vm3, v25, v16;
	v18 =	vsel vm4, v28, v18;
	v17 =	vsel vm2, v29, v17;
	v35 =	vld [tilespmem:s28+$0x20]  }
0x63: {  	s25 =	sadd.s32 $0x100, s25;
	v16 =	vsel vm6, v21, v16;
	v18 =	vsel vm7, v22, v18;
	v17 =	vsel vm5, v23, v17;
	v36 =	vld [tilespmem:s28+$0x30]  }
0x64: {  	v30 =	vsel vm1, v19, v30;
	s0 =	sadd.s32 $0xFFFFFF90, s25;
	s1 =	sadd.s32 $0xFFFFFFA0, s25;
	v37 =	vld [tilespmem:s28+$0xFFFFFF80]  }
0x65: {  	s29 =	sadd.s32 $0xFFFFFFD0, s25;
	v24 =	vor.u32 s25, v0;
	v19 =	vor.u32 s0, v0;
	v39 =	vor.u32 s1, v0;
	s0 =	sadd.s32 $0xFFFFFFB0, s25;
	s1 =	sadd.s32 $0xFFFFFFC0, s25;
	v38 =	vld [tilespmem:s28+$0xFFFFFF90]  }
0x66: {  	s30 =	sadd.s32 $0xFFFFFF10, s25;
	v23 =	vor.u32 s29, v0;
	v21 =	vor.u32 s0, v0;
	v22 =	vor.u32 s1, v0;
	s0 =	sadd.s32 $0xFFFFFFE0, s25;
	s1 =	sadd.s32 $0xFFFFFFF0, s25;
	v40 =	vld [tilespmem:s28+$0x40]  }
0x67: {  	s31 =	sadd.s32 $0xFFFFFF40, s25;
	v41 =	vor.u32 s30, v0;
	s29 =	sadd.s32 $0xFFFFFF20, s25;
	s30 =	sadd.s32 $0xFFFFFF30, s25;
	v26 =	vor.u32 s0, v0;
	v27 =	vor.u32 s1, v0;
	v42 =	vld [tilespmem:s28+$0xFFFFFFA0]  }
0x68: {  	v28 =	vor.u32 s31, v0;
	v43 =	vor.u32 s29, v0;
	v25 =	vor.u32 s30, v0;
	s29 =	sadd.s32 $0xFFFFFF70, s25;
	s0 =	sadd.s32 $0xFFFFFF50, s25;
	s1 =	sadd.s32 $0xFFFFFF60, s25;
	v44 =	vld [tilespmem:s28+$0xFFFFFFB0]  }
0x69: {  	v32 =	vor.u32 s29, v0;
	v29 =	vor.u32 s0, v0;
	v31 =	vor.u32 s1, v0;
	s0 =	sadd.s32 $0xFFFFFF80, s25;
	v45 =	vld [tilespmem:s28+$0xFFFFFFC0]  }
0x6a: {  	v33 =	vor.u32 s0, v0;
	vm1 =	vgt.f32 v37, v9;
	vm2 =	vgt.f32 v38, v10;
	v46 =	vld [tilespmem:s28+$0x50]  }
0x6b: {  	v9 =	vsel vm1, v37, v9;
	v10 =	vsel vm2, v38, v10;
	v11 =	vsel vm2, v43, v11;
	v37 =	vld [tilespmem:s28+$0xFFFFFFD0]  }
0x6c: {  	v30 =	vsel vm1, v41, v30;
	vm1 =	vgt.f32 v20, v9;
	v38 =	vld [tilespmem:s28+$0xFFFFFFE0];
	vm2 =	vgt.f32 v34, v10  }
0x6d: {  	s26 =	sadd.s32 $0x10, s26;
	v9 =	vsel vm1, v20, v9;
	v41 =	vld [tilespmem:s28+$0xFFFFFFF0];
	v10 =	vsel vm2, v34, v10;
	v11 =	vsel vm2, v39, v11  }
0x6e: {  	p0 =	slt.u32 s26, $0x3F0;
	vm3 =	vgt.f32 v42, v12;
	vm4 =	vgt.f32 v44, v8;
	vm2 =	vgt.f32 v45, v7;
	v20 =	vld [tilespmem:s28+$0x60]  }
0x6f: {  	v12 =	vsel vm3, v42, v12;
	v8 =	vsel vm4, v44, v8;
	v7 =	vsel vm2, v45, v7;
	v34 =	vld [tilespmem:s28+$0x70]  }
0x70: {  	vm6 =	vgt.f32 v35, v12;
	vm7 =	vgt.f32 v36, v8;
	vm5 =	vgt.f32 v40, v7  }
.Ltmp1:
0x71: {  	v12 =	vsel vm6, v35, v12;
	v8 =	vsel vm7, v36, v8;
	v7 =	vsel vm5, v40, v7;
	(pc) =	sbr.rel @p0 .LBB2_5-.Ltmp1, $4  }
0x72: {  	vm9 =	vgt.f32 v37, v6;
	vm10 =	vgt.f32 v38, v5;
	vm8 =	vgt.f32 v41, v4  }
0x73: {  	v6 =	vsel vm9, v37, v6;
	v5 =	vsel vm10, v38, v5;
	v4 =	vsel vm8, v41, v4  }
0x74: {  	vm12 =	vgt.f32 v46, v6;
	vm13 =	vgt.f32 v20, v5;
	vm11 =	vgt.f32 v34, v4  }
0x75: {  	s28 =	sadd.s32 $0x100, s28;
	v6 =	vsel vm12, v46, v6;
	v5 =	vsel vm13, v20, v5;
	v4 =	vsel vm11, v34, v4  }
0x76: {  	s25 =	sshll.u32 s24, $0x1  }
0x77: {  	s26 =	sadd.s32 s4, s25  }
0x78: {  	s0 =	smin.u32 s26, $0x7FD  }
0x79: {  	s0 =	sadd.s32 $0x2, s0  }
0x7a: {  	s1 =	sshll.u32 s0, $0xC;
	s0 =	sshll.u32 s0, $0x4  }
0x7b: {  	s1 =	sand.u32 $0xFF8000, s1;
	s0 =	sand.u32 $0x70, s0  }
0x7c: {  	s0 =	sor.u32 s0, s1  }
0x7d: {  	s1 =	sadd.s32 s2, s0  }
0x7e: {  	[tilespmem:s3], [sflag:$0x1] =	stream.strided.gather [hbm4b:s1+s12], $0x4000, s13, s12, $0x38;
	[tilespmem:$0x10080] =	vst v63  }
0x7f: {  	s0 =	sadd.s32 s0, s6  }
0x80: {  	[tilespmem:s14], [sflag:$0x2] =	stream.strided.gather [hbm4b:s0+s12], $0x4000, s13, s12, $0x38;
	[tilespmem:$0x10080] =	vst v63  }
0x81: {  	_ =	swait.ge [sflag:s19], $0x4000  }
0x82: {  	[sflag:s19] =	ssyncset.done $0x0  }
0x83: {  	v14 =	vsel vm9, v31, v14;
	v20 =	vsel vm10, v32, v15;
	s29 =	simm.s32 $0x8080;
	[sflag:s19] =	ssyncadd.s32 $0xFFFFC000  }
0x84: {  	v13 =	vsel vm8, v33, v13;
	v16 =	vsel vm3, v25, v16;
	v25 =	vsel vm2, v29, v17;
	v63 =	vld [tilespmem:s29+$0x0]  }
0x85: {  	v19 =	vsel vm1, v19, v30;
	v30 =	vimm.f32 $-1.000000000e+00;
	v13 =	vsel vm11, v24, v13;
	v24 =	vld [tilespmem:s29+$0x10]  }
0x86: {  	s21 =	simm.s32 $0x80;
	v15 =	vsel vm12, v26, v14;
	v14 =	vsel vm13, v27, v20;
	v20 =	vsel vm4, v28, v18;
	v56 =	vld [tilespmem:s29+$0xFFFFFF80]  }
0x87: {  	s31 =	simm.s32 $0x90;
	s28 =	simm.s32 $0xF0;
	s5 =	simm.s32 $0xB0;
	v18 =	vsel vm6, v21, v16;
	v16 =	vsel vm5, v23, v25;
	v23 =	vor.u32 s21, v0;
	v34 =	vld [tilespmem:s29+$0xFFFFFF90]  }
0x88: {  	s30 =	simm.s32 $0xC0;
	v35 =	vor.u32 s31, v0;
	v28 =	vor.u32 s28, v0;
	v25 =	vor.u32 s5, v0;
	v43 =	vld [tilespmem:s29+$0xFFFFFFA0]  }
0x89: {  	s31 =	simm.s32 $0x0;
	s21 =	simm.s32 $0xD0;
	v27 =	vor.u32 s30, v0;
	s5 =	simm.s32 $0x20;
	v17 =	vsel vm7, v22, v20;
	v20 =	vimm.s32 $0x0;
	v51 =	vld [tilespmem:s29+$0xFFFFFFD0]  }
0x8a: {  	s30 =	simm.s32 $0x10;
	v37 =	vor.u32 s31, v0;
	v21 =	vor.u32 s21, v0;
	s21 =	simm.s32 $0x30;
	v29 =	vor.u32 s5, v0;
	s5 =	simm.s32 $0x40;
	v52 =	vld [tilespmem:s29+$0xFFFFFFE0]  }
0x8b: {  	v38 =	vor.u32 s30, v0;
	s30 =	simm.s32 $0x50;
	s31 =	simm.s32 $0x70;
	v36 =	vor.u32 s21, v0;
	v40 =	vor.u32 s5, v0;
	s1 =	simm.s32 $0xA0;
	v45 =	vld [tilespmem:s29+$0xFFFFFFB0]  }
0x8c: {  	s21 =	simm.s32 $0x60;
	v46 =	vor.u32 s30, v0;
	v48 =	vor.u32 s31, v0;
	v26 =	vor.u32 s1, v0;
	s1 =	simm.s32 $0xE0;
	v22 =	vld [tilespmem:s29+$0x20]  }
0x8d: {  	v47 =	vor.u32 s21, v0;
	v31 =	vor.u32 s1, v0;
	v41 =	vld [tilespmem:s29+$0x30];
	vm2 =	vgt.f32 v56, v30  }
0x8e: {  	v57 =	vld [tilespmem:s29+$0x60];
	vm1 =	vgt.f32 v34, v30;
	vm4 =	vgt.f32 v43, v30;
	vm10 =	vgt.f32 v51, v30  }
0x8f: {  	v42 =	vld [tilespmem:s29+$0x40];
	vm8 =	vgt.f32 v52, v30;
	v33 =	vsel vm2, v56, v30;
	v34 =	vsel vm1, v34, v30  }
0x90: {  	v49 =	vld [tilespmem:s29+$0xFFFFFFC0];
	v39 =	vsel vm1, v38, v20;
	v44 =	vsel vm2, v37, v20;
	vm2 =	vgt.f32 v45, v30  }
0x91: {  	v50 =	vld [tilespmem:s29+$0x50];
	v58 =	vsel vm4, v43, v30;
	v62 =	vsel vm8, v52, v30;
	vm3 =	vgt.f32 v24, v34  }
0x92: {  	v43 =	vimm.s32 $0x0;
	vm1 =	vgt.f32 v63, v33;
	v38 =	vsel vm3, v24, v34;
	v24 =	vld [tilespmem:s29+$0xFFFFFFF0]  }
0x93: {  	v59 =	vsel vm2, v45, v30;
	vm7 =	vgt.f32 v22, v58;
	vm11 =	vgt.f32 v57, v62  }
0x94: {  	v61 =	vld [tilespmem:s29+$0x70];
	v45 =	vimm.s32 $0x0;
	v37 =	vsel vm1, v63, v33;
	v39 =	vsel vm3, v35, v39  }
0x95: {  	vm3 =	vgt.f32 v49, v30;
	vm5 =	vgt.f32 v41, v59;
	v33 =	vsel vm7, v22, v58  }
0x96: {  	v22 =	vsel vm10, v51, v30;
	v60 =	vsel vm3, v49, v30;
	v34 =	vsel vm5, v41, v59  }
0x97: {  	vm13 =	vgt.f32 v50, v22;
	vm6 =	vgt.f32 v42, v60;
	vm9 =	vgt.f32 v24, v30  }
0x98: {  	v41 =	vimm.s32 $0x0;
	v35 =	vsel vm6, v42, v60;
	v63 =	vsel vm9, v24, v30  }
0x99: {  	v42 =	vimm.s32 $0x0;
	v24 =	vsel vm13, v50, v22;
	vm12 =	vgt.f32 v61, v63  }
0x9a: {  	s30 =	simm.s32 $0x8180;
	s29 =	simm.s32 $0x0;
	v30 =	vsel vm11, v57, v62;
	v22 =	vimm.s32 $0x0;
	v32 =	vsel vm12, v61, v63  }
.LBB2_7:
0x9b: {  	v49 =	vld [tilespmem:s30+$0x0];
	v20 =	vsel vm10, v46, v20;
	v22 =	vsel vm8, v47, v22;
	v45 =	vsel vm9, v48, v45  }
0x9c: {  	v50 =	vld [tilespmem:s30+$0x10];
	v20 =	vsel vm13, v21, v20;
	v22 =	vsel vm11, v31, v22;
	v45 =	vsel vm12, v28, v45  }
0x9d: {  	v21 =	vsel vm4, v29, v43;
	v28 =	vsel vm2, v36, v41;
	v29 =	vsel vm3, v40, v42;
	v51 =	vld [tilespmem:s30+$0x20]  }
0x9e: {  	s28 =	sadd.s32 $0x100, s28;
	v43 =	vsel vm7, v26, v21;
	v41 =	vsel vm5, v25, v28;
	v42 =	vsel vm6, v27, v29;
	v52 =	vld [tilespmem:s30+$0x30]  }
0x9f: {  	v44 =	vsel vm1, v23, v44;
	s0 =	sadd.s32 $0xFFFFFF90, s28;
	s1 =	sadd.s32 $0xFFFFFFA0, s28;
	v53 =	vld [tilespmem:s30+$0xFFFFFF80]  }
0xa0: {  	s31 =	sadd.s32 $0xFFFFFFD0, s28;
	v23 =	vor.u32 s0, v0;
	v55 =	vor.u32 s1, v0;
	s0 =	sadd.s32 $0xFFFFFFB0, s28;
	s1 =	sadd.s32 $0xFFFFFFC0, s28;
	v28 =	vor.u32 s28, v0;
	v54 =	vld [tilespmem:s30+$0xFFFFFF90]  }
0xa1: {  	s21 =	sadd.s32 $0xFFFFFF10, s28;
	v27 =	vor.u32 s31, v0;
	v26 =	vor.u32 s0, v0;
	v25 =	vor.u32 s1, v0;
	s0 =	sadd.s32 $0xFFFFFFE0, s28;
	s1 =	sadd.s32 $0xFFFFFFF0, s28;
	v56 =	vld [tilespmem:s30+$0x40]  }
0xa2: {  	s5 =	sadd.s32 $0xFFFFFF40, s28;
	v57 =	vor.u32 s21, v0;
	s21 =	sadd.s32 $0xFFFFFF20, s28;
	s31 =	sadd.s32 $0xFFFFFF30, s28;
	v21 =	vor.u32 s0, v0;
	v31 =	vor.u32 s1, v0;
	v58 =	vld [tilespmem:s30+$0xFFFFFFA0]  }
0xa3: {  	v36 =	vor.u32 s5, v0;
	s5 =	sadd.s32 $0xFFFFFF70, s28;
	v59 =	vor.u32 s21, v0;
	v29 =	vor.u32 s31, v0;
	s0 =	sadd.s32 $0xFFFFFF50, s28;
	s1 =	sadd.s32 $0xFFFFFF60, s28;
	v60 =	vld [tilespmem:s30+$0xFFFFFFB0]  }
0xa4: {  	v47 =	vor.u32 s5, v0;
	v40 =	vor.u32 s0, v0;
	v46 =	vor.u32 s1, v0;
	s0 =	sadd.s32 $0xFFFFFF80, s28;
	v61 =	vld [tilespmem:s30+$0xFFFFFFC0]  }
0xa5: {  	v48 =	vor.u32 s0, v0;
	vm1 =	vgt.f32 v53, v37;
	vm2 =	vgt.f32 v54, v38;
	v62 =	vld [tilespmem:s30+$0x50]  }
0xa6: {  	v37 =	vsel vm1, v53, v37;
	v38 =	vsel vm2, v54, v38;
	v39 =	vsel vm2, v59, v39;
	v53 =	vld [tilespmem:s30+$0xFFFFFFD0]  }
0xa7: {  	v44 =	vsel vm1, v57, v44;
	vm1 =	vgt.f32 v49, v37;
	v54 =	vld [tilespmem:s30+$0xFFFFFFE0];
	vm2 =	vgt.f32 v50, v38  }
0xa8: {  	s29 =	sadd.s32 $0x10, s29;
	v37 =	vsel vm1, v49, v37;
	v57 =	vld [tilespmem:s30+$0xFFFFFFF0];
	v38 =	vsel vm2, v50, v38;
	v39 =	vsel vm2, v55, v39  }
0xa9: {  	p0 =	slt.u32 s29, $0x3F0;
	vm4 =	vgt.f32 v58, v33;
	vm2 =	vgt.f32 v60, v34;
	vm3 =	vgt.f32 v61, v35;
	v49 =	vld [tilespmem:s30+$0x60]  }
0xaa: {  	v33 =	vsel vm4, v58, v33;
	v34 =	vsel vm2, v60, v34;
	v35 =	vsel vm3, v61, v35;
	v50 =	vld [tilespmem:s30+$0x70]  }
0xab: {  	vm7 =	vgt.f32 v51, v33;
	vm5 =	vgt.f32 v52, v34;
	vm6 =	vgt.f32 v56, v35  }
.Ltmp2:
0xac: {  	v33 =	vsel vm7, v51, v33;
	v34 =	vsel vm5, v52, v34;
	v35 =	vsel vm6, v56, v35;
	(pc) =	sbr.rel @p0 .LBB2_7-.Ltmp2, $4  }
0xad: {  	vm10 =	vgt.f32 v53, v24;
	vm8 =	vgt.f32 v54, v30;
	vm9 =	vgt.f32 v57, v32  }
0xae: {  	v24 =	vsel vm10, v53, v24;
	v30 =	vsel vm8, v54, v30;
	v32 =	vsel vm9, v57, v32  }
0xaf: {  	vm13 =	vgt.f32 v62, v24;
	vm11 =	vgt.f32 v49, v30;
	vm12 =	vgt.f32 v50, v32  }
0xb0: {  	s30 =	sadd.s32 $0x100, s30;
	v24 =	vsel vm13, v62, v24;
	v30 =	vsel vm11, v49, v30;
	v32 =	vsel vm12, v50, v32  }
0xb1: {  	_ =	swait.ge [sflag:s20], $0x4000  }
0xb2: {  	[sflag:s20] =	ssyncset.done $0x0  }
0xb3: {  	s29 =	simm.s32 $0xC080;
	[sflag:s20] =	ssyncadd.s32 $0xFFFFC000  }
0xb4: {  	v20 =	vsel vm10, v46, v20;
	v49 =	vld [tilespmem:s29+$0x0]  }
0xb5: {  	v61 =	vsel vm8, v47, v22;
	v45 =	vsel vm9, v48, v45;
	v62 =	vsel vm3, v40, v42;
	v50 =	vld [tilespmem:s29+$0x10]  }
0xb6: {  	v48 =	vsel vm1, v23, v44;
	v22 =	vsel vm13, v21, v20;
	v21 =	vsel vm11, v31, v61;
	v53 =	vld [tilespmem:s29+$0xFFFFFF80]  }
0xb7: {  	s28 =	simm.s32 $0x40F0;
	s1 =	simm.s32 $0x4090;
	v20 =	vsel vm12, v28, v45;
	v28 =	vsel vm4, v29, v43;
	v31 =	vsel vm2, v36, v41;
	v54 =	vld [tilespmem:s29+$0xFFFFFF90]  }
0xb8: {  	s31 =	simm.s32 $0x40B0;
	s5 =	simm.s32 $0x40C0;
	s21 =	simm.s32 $0x4000;
	v27 =	vsel vm6, v27, v62;
	v55 =	vor.u32 s1, v0;
	v23 =	vor.u32 s28, v0;
	v58 =	vld [tilespmem:s29+$0xFFFFFFA0]  }
0xb9: {  	s30 =	simm.s32 $0x4030;
	v41 =	vor.u32 s31, v0;
	v36 =	vor.u32 s5, v0;
	v57 =	vor.u32 s21, v0;
	v60 =	vld [tilespmem:s29+$0xFFFFFFB0]  }
0xba: {  	s0 =	simm.s32 $0x4080;
	s1 =	simm.s32 $0x40A0;
	s5 =	simm.s32 $0x40E0;
	v46 =	vor.u32 s30, v0;
	v29 =	vsel vm7, v26, v28;
	v28 =	vsel vm5, v25, v31;
	v61 =	vld [tilespmem:s29+$0xFFFFFFC0]  }
0xbb: {  	s21 =	simm.s32 $0x4010;
	s31 =	simm.s32 $0x4020;
	v26 =	vor.u32 s0, v0;
	v40 =	vor.u32 s1, v0;
	s1 =	simm.s32 $0x40D0;
	v25 =	vor.u32 s5, v0;
	v51 =	vld [tilespmem:s29+$0x20]  }
0xbc: {  	v59 =	vor.u32 s21, v0;
	v45 =	vor.u32 s31, v0;
	s5 =	simm.s32 $0x4050;
	s21 =	simm.s32 $0x4060;
	s31 =	simm.s32 $0x4070;
	v52 =	vld [tilespmem:s29+$0x30];
	v31 =	vor.u32 s1, v0  }
0xbd: {  	v56 =	vld [tilespmem:s29+$0x40];
	s1 =	simm.s32 $0x4040;
	v44 =	vor.u32 s5, v0;
	v42 =	vor.u32 s21, v0;
	v43 =	vor.u32 s31, v0  }
0xbe: {  	v62 =	vld [tilespmem:s29+$0x50];
	v47 =	vor.u32 s1, v0;
	vm1 =	vgt.f32 v53, v37;
	vm2 =	vgt.f32 v54, v38  }
0xbf: {  	v63 =	vld [tilespmem:s29+$0xFFFFFFF0];
	vm11 =	vgt.f32 v58, v33;
	vm10 =	vgt.f32 v60, v34;
	vm9 =	vgt.f32 v61, v35  }
0xc0: {  	v37 =	vsel vm1, v53, v37;
	v38 =	vsel vm2, v54, v38;
	v39 =	vsel vm2, v59, v39;
	v53 =	vld [tilespmem:s29+$0xFFFFFFD0]  }
0xc1: {  	v48 =	vsel vm1, v57, v48;
	v54 =	vld [tilespmem:s29+$0xFFFFFFE0];
	v33 =	vsel vm11, v58, v33;
	v34 =	vsel vm10, v60, v34  }
0xc2: {  	v59 =	vld [tilespmem:s29+$0x60];
	v60 =	vsel vm9, v61, v35;
	vm1 =	vgt.f32 v49, v37;
	vm2 =	vgt.f32 v50, v38  }
0xc3: {  	v61 =	vld [tilespmem:s29+$0x70];
	vm12 =	vgt.f32 v51, v33;
	vm13 =	vgt.f32 v52, v34;
	vm8 =	vgt.f32 v56, v60  }
0xc4: {  	v37 =	vsel vm1, v49, v37;
	v38 =	vsel vm2, v50, v38;
	v39 =	vsel vm2, v55, v39  }
0xc5: {  	v35 =	vsel vm12, v51, v33;
	v34 =	vsel vm13, v52, v34;
	v33 =	vsel vm8, v56, v60  }
0xc6: {  	vm2 =	vgt.f32 v63, v32;
	vm6 =	vgt.f32 v53, v24;
	vm4 =	vgt.f32 v54, v30  }
0xc7: {  	v63 =	vsel vm2, v63, v32;
	v24 =	vsel vm6, v53, v24;
	v30 =	vsel vm4, v54, v30  }
0xc8: {  	vm3 =	vgt.f32 v61, v63;
	vm7 =	vgt.f32 v62, v24;
	vm5 =	vgt.f32 v59, v30  }
0xc9: {  	s30 =	simm.s32 $0xC180;
	s29 =	simm.s32 $0x0;
	v32 =	vsel vm7, v62, v24;
	v30 =	vsel vm5, v59, v30;
	v24 =	vsel vm3, v61, v63  }
.LBB2_9:
0xca: {  	v49 =	vld [tilespmem:s30+$0x0];
	v22 =	vsel vm6, v44, v22;
	v21 =	vsel vm4, v42, v21;
	v20 =	vsel vm2, v43, v20  }
0xcb: {  	v50 =	vld [tilespmem:s30+$0x10];
	v22 =	vsel vm7, v31, v22;
	v21 =	vsel vm5, v25, v21;
	v20 =	vsel vm3, v23, v20  }
0xcc: {  	v27 =	vsel vm9, v47, v27;
	v23 =	vsel vm11, v45, v29;
	v25 =	vsel vm10, v46, v28;
	v51 =	vld [tilespmem:s30+$0x20]  }
0xcd: {  	s28 =	sadd.s32 $0x100, s28;
	v27 =	vsel vm8, v36, v27;
	v29 =	vsel vm12, v40, v23;
	v28 =	vsel vm13, v41, v25;
	v52 =	vld [tilespmem:s30+$0x30]  }
0xce: {  	v48 =	vsel vm1, v26, v48;
	s0 =	sadd.s32 $0xFFFFFF90, s28;
	s1 =	sadd.s32 $0xFFFFFFA0, s28;
	v53 =	vld [tilespmem:s30+$0xFFFFFF80]  }
0xcf: {  	s5 =	sadd.s32 $0xFFFFFFD0, s28;
	v26 =	vor.u32 s0, v0;
	v55 =	vor.u32 s1, v0;
	s0 =	sadd.s32 $0xFFFFFFB0, s28;
	s1 =	sadd.s32 $0xFFFFFFC0, s28;
	v23 =	vor.u32 s28, v0;
	v54 =	vld [tilespmem:s30+$0xFFFFFF90]  }
0xd0: {  	s21 =	sadd.s32 $0xFFFFFF10, s28;
	v36 =	vor.u32 s5, v0;
	v40 =	vor.u32 s0, v0;
	v41 =	vor.u32 s1, v0;
	s0 =	sadd.s32 $0xFFFFFFE0, s28;
	s1 =	sadd.s32 $0xFFFFFFF0, s28;
	v56 =	vld [tilespmem:s30+$0x40]  }
0xd1: {  	s31 =	sadd.s32 $0xFFFFFF40, s28;
	v57 =	vor.u32 s21, v0;
	s5 =	sadd.s32 $0xFFFFFF20, s28;
	s21 =	sadd.s32 $0xFFFFFF30, s28;
	v31 =	vor.u32 s0, v0;
	v25 =	vor.u32 s1, v0;
	v58 =	vld [tilespmem:s30+$0xFFFFFFA0]  }
0xd2: {  	v46 =	vor.u32 s31, v0;
	v59 =	vor.u32 s5, v0;
	v45 =	vor.u32 s21, v0;
	s5 =	sadd.s32 $0xFFFFFF70, s28;
	s0 =	sadd.s32 $0xFFFFFF50, s28;
	s1 =	sadd.s32 $0xFFFFFF60, s28;
	v60 =	vld [tilespmem:s30+$0xFFFFFFB0]  }
0xd3: {  	v42 =	vor.u32 s5, v0;
	v47 =	vor.u32 s0, v0;
	v44 =	vor.u32 s1, v0;
	s0 =	sadd.s32 $0xFFFFFF80, s28;
	v61 =	vld [tilespmem:s30+$0xFFFFFFC0]  }
0xd4: {  	v43 =	vor.u32 s0, v0;
	vm1 =	vgt.f32 v53, v37;
	vm2 =	vgt.f32 v54, v38;
	v62 =	vld [tilespmem:s30+$0x50]  }
0xd5: {  	v37 =	vsel vm1, v53, v37;
	v38 =	vsel vm2, v54, v38;
	v39 =	vsel vm2, v59, v39;
	v53 =	vld [tilespmem:s30+$0xFFFFFFD0]  }
0xd6: {  	v48 =	vsel vm1, v57, v48;
	vm1 =	vgt.f32 v49, v37;
	v54 =	vld [tilespmem:s30+$0xFFFFFFE0];
	vm2 =	vgt.f32 v50, v38  }
0xd7: {  	s29 =	sadd.s32 $0x10, s29;
	v37 =	vsel vm1, v49, v37;
	v57 =	vld [tilespmem:s30+$0xFFFFFFF0];
	v38 =	vsel vm2, v50, v38;
	v39 =	vsel vm2, v55, v39  }
0xd8: {  	p0 =	slt.u32 s29, $0x3F0;
	vm11 =	vgt.f32 v58, v35;
	vm10 =	vgt.f32 v60, v34;
	vm9 =	vgt.f32 v61, v33;
	v49 =	vld [tilespmem:s30+$0x60]  }
0xd9: {  	v35 =	vsel vm11, v58, v35;
	v34 =	vsel vm10, v60, v34;
	v33 =	vsel vm9, v61, v33;
	v50 =	vld [tilespmem:s30+$0x70]  }
0xda: {  	vm12 =	vgt.f32 v51, v35;
	vm13 =	vgt.f32 v52, v34;
	vm8 =	vgt.f32 v56, v33  }
.Ltmp3:
0xdb: {  	v35 =	vsel vm12, v51, v35;
	v34 =	vsel vm13, v52, v34;
	v33 =	vsel vm8, v56, v33;
	(pc) =	sbr.rel @p0 .LBB2_9-.Ltmp3, $4  }
0xdc: {  	vm6 =	vgt.f32 v53, v32;
	vm4 =	vgt.f32 v54, v30;
	vm2 =	vgt.f32 v57, v24  }
0xdd: {  	v32 =	vsel vm6, v53, v32;
	v30 =	vsel vm4, v54, v30;
	v24 =	vsel vm2, v57, v24  }
0xde: {  	vm7 =	vgt.f32 v62, v32;
	vm5 =	vgt.f32 v49, v30;
	vm3 =	vgt.f32 v50, v24  }
0xdf: {  	s30 =	sadd.s32 $0x100, s30;
	v32 =	vsel vm7, v62, v32;
	v30 =	vsel vm5, v49, v30;
	v24 =	vsel vm3, v50, v24  }
0xe0: {  	vm14 =	veq.f32 v10, v9;
	vm15 =	vlt.s32 v11, v19  }
0xe1: {  	vm14 =	vmand vm14, vm15;
	vm15 =	vgt.f32 v10, v9  }
0xe2: {  	vm14 =	vmor vm15, vm14  }
0xe3: {  	v60 =	vsel vm14, v10, v9;
	v61 =	vsel vm14, v11, v19  }
0xe4: {  	vm14 =	veq.f32 v12, v60;
	vm15 =	vlt.s32 v18, v61  }
0xe5: {  	vm14 =	vmand vm14, vm15;
	vm15 =	vgt.f32 v12, v60  }
0xe6: {  	vm14 =	vmor vm15, vm14  }
0xe7: {  	v9 =	vsel vm14, v12, v60;
	v10 =	vsel vm14, v18, v61  }
0xe8: {  	vm14 =	veq.f32 v8, v9;
	vm15 =	vlt.s32 v17, v10  }
0xe9: {  	vm14 =	vmand vm14, vm15;
	vm15 =	vgt.f32 v8, v9  }
0xea: {  	vm14 =	vmor vm15, vm14  }
0xeb: {  	v62 =	vsel vm11, v45, v29;
	v63 =	vsel vm14, v8, v9;
	v29 =	vsel vm14, v17, v10  }
0xec: {  	v45 =	vsel vm10, v46, v28;
	vm10 =	veq.f32 v7, v63;
	vm15 =	vlt.s32 v16, v29  }
0xed: {  	v46 =	vsel vm9, v47, v27;
	vm14 =	vgt.f32 v7, v63;
	vm10 =	vmand vm10, vm15  }
0xee: {  	v47 =	vsel vm1, v26, v48;
	v11 =	vsel vm12, v40, v62;
	vm9 =	vmor vm14, vm10  }
0xef: {  	v10 =	vsel vm13, v41, v45;
	v48 =	vsel vm9, v7, v63;
	v49 =	vsel vm9, v16, v29  }
0xf0: {  	vm13 =	veq.f32 v38, v37;
	vm15 =	veq.f32 v6, v48;
	vm12 =	vlt.s32 v15, v49  }
0xf1: {  	vm14 =	vlt.s32 v39, v47;
	vm1 =	vgt.f32 v6, v48;
	vm9 =	vmand vm15, vm12  }
0xf2: {  	vm10 =	vmand vm13, vm14;
	vm15 =	vgt.f32 v38, v37;
	vm1 =	vmor vm1, vm9  }
0xf3: {  	v50 =	vsel vm8, v36, v46;
	vm12 =	vmor vm15, vm10;
	v51 =	vsel vm1, v6, v48  }
0xf4: {  	v52 =	vsel vm1, v15, v49;
	v53 =	vsel vm12, v38, v37;
	v54 =	vsel vm12, v39, v47  }
0xf5: {  	vm1 =	veq.f32 v5, v51;
	vm13 =	veq.f32 v35, v53;
	vm14 =	vlt.s32 v11, v54  }
0xf6: {  	vm15 =	vlt.s32 v14, v52;
	vm12 =	vgt.f32 v35, v53;
	vm8 =	vmand vm13, vm14  }
0xf7: {  	vm13 =	vgt.f32 v5, v51;
	vm1 =	vmand vm1, vm15;
	vm8 =	vmor vm12, vm8  }
0xf8: {  	vm1 =	vmor vm13, vm1;
	v8 =	vsel vm8, v35, v53;
	v11 =	vsel vm8, v11, v54  }
0xf9: {  	v5 =	vsel vm1, v5, v51;
	vm14 =	veq.f32 v34, v8;
	vm15 =	vlt.s32 v10, v11  }
0xfa: {  	v55 =	vsel vm1, v14, v52;
	vm1 =	vgt.f32 v34, v8;
	vm8 =	vmand vm14, vm15  }
0xfb: {  	vm9 =	vgt.f32 v4, v5;
	vm12 =	veq.f32 v4, v5;
	vm1 =	vmor vm1, vm8  }
0xfc: {  	vm13 =	vlt.s32 v13, v55;
	v56 =	vsel vm1, v34, v8;
	v57 =	vsel vm1, v10, v11  }
0xfd: {  	vm1 =	vmand vm12, vm13;
	vm14 =	veq.f32 v33, v56;
	vm15 =	vlt.s32 v50, v57  }
0xfe: {  	vm1 =	vmor vm9, vm1;
	vm12 =	vgt.f32 v33, v56;
	vm8 =	vmand vm14, vm15  }
0xff: {  	v58 =	vsel vm6, v44, v22;
	v4 =	vsel vm1, v4, v5;
	vm13 =	vmor vm12, vm8  }
0x100: {  	v5 =	vsel vm7, v31, v58;
	(xrf0) =	vmax.scan.msk.f32 $0xffff, v4;
	v7 =	vsel vm13, v33, v56;
	v8 =	vsel vm13, v50, v57  }
0x101: {  	vm14 =	veq.f32 v32, v7;
	vm7 =	vlt.s32 v5, v8  }
0x102: {  	vm15 =	vgt.f32 v32, v7;
	vm6 =	vmand vm14, vm7  }
0x103: {  	v59 =	vsel vm4, v42, v21;
	vm11 =	vmor vm15, vm6  }
0x104: {  	v9 =	vsel vm5, v25, v59;
	v7 =	vsel vm11, v32, v7;
	v5 =	vsel vm11, v5, v8  }
0x105: {  	vm12 =	veq.f32 v30, v7;
	vm5 =	vlt.s32 v9, v5  }
0x106: {  	v60 =	vsel vm2, v43, v20;
	v61, _, _ =	vpop (xrf0);
	vm2 =	vgt.f32 v30, v7;
	vm4 =	vmand vm12, vm5  }
0x107: {  	v6 =	vsel vm1, v13, v55;
	v10 =	vbroadcast v61, $0xF;
	vm2 =	vmor vm2, vm4  }
0x108: {  	v8 =	vsel vm3, v23, v60;
	v7 =	vsel vm2, v30, v7;
	v5 =	vsel vm2, v9, v5  }
0x109: {  	vm1 =	veq.f32 v4, v10;
	vm2 =	veq.f32 v24, v7;
	vm3 =	vlt.s32 v8, v5  }
0x10a: {  	v4 =	vxor.u32 $0x80000000, v6;
	vm13 =	vgt.f32 v24, v7;
	vm2 =	vmand vm2, vm3  }
0x10b: {  	v4 =	vnsel vm1, $0x80008000, v4;
	vm1 =	vmor vm13, vm2  }
0x10c: {  	(xrf0) =	vmin.scan.msk.u32 $0xffff, v4;
	v4 =	vsel vm1, v24, v7  }
0x10d: {  	(xrf0) =	vmax.scan.msk.f32 $0xffff, v4;
	_ =	sdelay $0x4  }
0x10e: {  	v62, _, _ =	vpop (xrf0)  }
0x10f: {  	v63, _, _ =	vpop (xrf0)  }
0x110: {  	v7 =	vbroadcast v63, $0xF  }
0x111: {  	v5 =	vsel vm1, v8, v5  }
0x112: {  	vm1 =	veq.f32 v4, v7;
	v4 =	vxor.u32 $0x80000000, v5  }
0x113: {  	v4 =	vnsel vm1, $0x80008000, v4  }
0x114: {  	(xrf0) =	vmin.scan.msk.u32 $0xffff, v4;
	_ =	sdelay $0x4  }
0x115: {  	(v2sf) =	vpush v62, $0xF  }
0x116: {  	v4, _, _ =	vpop (xrf0)  }
0x117: {  	(v2sf) =	vpush v4, $0xF;
	_ =	sdelay $0x1  }
0x118: {  	s0 =	smin.u32 s26, $0x7FC  }
0x119: {  	s0 =	sadd.s32 $0x3, s0  }
0x11a: {  	s1 =	sshll.u32 s0, $0xC;
	s0 =	sshll.u32 s0, $0x4  }
0x11b: {  	s1 =	sand.u32 $0xFF8000, s1;
	s0 =	sand.u32 $0x70, s0  }
0x11c: {  	s0 =	sor.u32 s0, s1  }
0x11d: {  	s1 =	sadd.s32 s2, s0  }
0x11e: {  	[tilespmem:s15], [sflag:$0x3] =	stream.strided.gather [hbm4b:s1+s12], $0x4000, s13, s12, $0x38;
	[tilespmem:$0x10080] =	vst v63  }
0x11f: {  	p0 =	slt.u32 s24, $0x8;
	s0 =	sadd.s32 s0, s6  }
0x120: {  	[tilespmem:s16], [sflag:$0x4] =	stream.strided.gather [hbm4b:s0+s12], $0x4000, s13, s12, $0x38;
	vm1 =	vmmov vm0;
	[tilespmem:$0x10080] =	vst v63  }
0x121: {  	s5 =	sand.u32 $0xE, s25;
	vm3 =	vmmov vm0;
	vm1 =	vmneg @p0 vm1;
	p0 =	sgt.u32 s24, $0x7;
	s24 =	sadd.s32 $0x1, s24  }
0x122: {  	vm3 =	vmneg @p0 vm3;
	p0 =	sne.s32 s24, $0xC;
	v4 =	vmov s5  }
.Ltmp4:
0x123: {  	s5 =	sor.u32 $0x1, s5;
	s30 =	spop (v2sf);
	vm2 =	veq.s32 v4, v0;
	(pc) =	sbr.rel @p0 .LBB2_2-.Ltmp4, $4  }
0x124: {  	v4 =	vmov s5;
	s1 =	sxor.u32 $0x80000000, s30;
	vm14 =	vmand vm1, vm2  }
0x125: {  	vm2 =	vmand vm3, vm2;
	vm15 =	veq.s32 v4, v0;
	v3 =	vsel vm14, s1, v3;
	s31 =	spop (v2sf)  }
0x126: {  	v2 =	vsel vm2, s1, v2;
	vm1 =	vmand vm1, vm15;
	vm2 =	vmand vm3, vm15;
	s0 =	sxor.u32 $0x80000000, s31  }
0x127: {  	v3 =	vsel vm1, s0, v3;
	v2 =	vsel vm2, s0, v2  }
0x128: {  	[tilespmem:$0x10000] =	vst v3  }
0x129: {  	[tilespmem:$0x10010] =	vst v2  }
0x12a: {  	_ =	swait.ge [sflag:s17], $0x4000  }
0x12b: {  	[sflag:s17] =	ssyncset.done $0x0  }
0x12c: {  	[sflag:s17] =	ssyncadd.s32 $0xFFFFC000  }
0x12d: {  	_ =	swait.ge [sflag:s18], $0x4000  }
0x12e: {  	[sflag:s18] =	ssyncset.done $0x0  }
0x12f: {  	[sflag:s18] =	ssyncadd.s32 $0xFFFFC000  }
0x130: {  	_ =	swait.ge [sflag:s19], $0x4000  }
0x131: {  	[sflag:s19] =	ssyncset.done $0x0  }
0x132: {  	[sflag:s19] =	ssyncadd.s32 $0xFFFFC000  }
0x133: {  	s23 =	sadd.s32 $0x1, s23;
	_ =	swait.ge [sflag:s20], $0x4000  }
0x134: {  	p0 =	sne.s32 s23, s11;
	[sflag:s20] =	ssyncset.done $0x0  }
.Ltmp5:
0x135: {  	s0 =	simm.s32 $0x10000;
	[sflag:s20] =	ssyncadd.s32 $0xFFFFC000;
	(pc) =	sbr.rel @p0 .LBB2_1-.Ltmp5, $4  }
0x136: {  	[hbm4b:s10+s3] =	stream.linear.scatter [tilespmem:s0], [sflag:$0x5], $0x20, $0x38;
	[tilespmem:$0x10080] =	vst v63  }
0x137: {  	_ =	swait.ge [sflag:s22], $0x20  }
0x138: {  	[sflag:s22] =	ssyncset.done $0x0  }
0x139: {  	[sflag:s22] =	ssyncadd.s32 $0xFFFFFFE0  }
0x13a: {  	_ =	sfence.sel $0x180000  }
0x13b: {  	[bflag:$0x0] =	sbarrier.arrive $0xFFFF  }
0x13c: {  	_ =	strace $0x90000047  }
0x13d: {  	s0 =	stileid.u32;
	[bflag:$0x2] =	sbarrier.arrive $0xFFFF  }
0x13e: {  	p0 =	sne.s32 s0, $0x0;
	s0 =	rddreg [dreg:$0x2]  }
0x13f: {  	s0 =	sadd.s32 @!p0 $0x100000, s0  }
0x140: {  	[sflag:s0] =	ssyncadd.tile.s32 @!p0 $0x1;
	_ =	shalt  }
.Lfunc_end2:
_tile_overlayer_lowered:
.L_overlay_start_2:
0x141: {  	(tag) =	ssettag $0x2  }
0x142: {  	s0 =	rddreg [dreg:$0x0];
	s2 =	stileid.u32  }
0x143: {  	s1 =	rddreg [dreg:$0x1];
	p0 =	sne.s32 s2, $0x0  }
0x144: {  	s3 =	rddreg [dreg:$0x2];
	[bflag:$0x3] =	sbarrier.arrive $0xFFFF;
	s2 =	simm.s32 @!p0 $0x1C05  }
0x145: {  	[timem:s3], [sflag:s2] =	dma.local @!p0 [hbm:s0], s1  }
0x146: {  	s0 =	simm.s32 @!p0 $0x5  }
0x147: {  	_ =	swait.ge @!p0 [sflag:s0], s1  }
0x148: {  	s1 =	ssub.s32 @!p0 $0x0, s1;
	[sflag:s0] =	ssyncset.done @!p0 $0x0  }
0x149: {  	[sflag:s0] =	ssyncadd.s32 @!p0 s1  }
0x14a: {  	[bflag:$0x3] =	sbarrier.arrive $0xFFFF  }
0x14b: {  	_ =	shalt  }

</sc_bundles>
